<compile_context>
chip_gen: v7x
topology: tpu7x:2x2x1
jax: 0.10.2.dev20260603
libtpu: 0.0.44.dev20260713+nightly
codegen_flags: <defaults>
</compile_context>

<pallas_src>
import functools

import jax
import jax.numpy as jnp
from jax import lax
from jax.experimental import pallas as pl
from jax.experimental.pallas import tpu as pltpu
from jax.experimental.pallas import tpu_sc as plsc

_B, _S, _H = 8, 2048, 512
_G, _V = 2, 320
_D = 128
_T = _B * _S
_TB = 2048
_NBLK = _T // _TB

_NC, _NS = 2, 16
_NW = _NC * _NS
_ROWS = _T * _G
_RPW = _ROWS // _NW
_CHUNK = 128
_NCH = _RPW // _CHUNK


_LW = 128


def _lane_fold(t):
    w = t.shape[1]
    while w > _LW:
        w //= 2
        t = t[:, :w] + t[:, w:]
    return t


def _argmax_cols(lt):
    m = jnp.max(lt, axis=0, keepdims=True)
    eq = lt == m
    iota = lax.broadcasted_iota(jnp.int32, lt.shape, 0)
    idx = jnp.min(jnp.where(eq, iota, _V), axis=0, keepdims=True)
    cnt = _lane_fold(eq.astype(jnp.float32))
    return idx, cnt


_SPLIT = 4
_SB = _TB // _SPLIT


def _tc_body(x_ref, w_ref, b_ref, idx_ref, perp_ref, acc0, acc1):
    i = pl.program_id(0)
    parts = []
    c0 = c1 = None
    for k in range(_SPLIT):
        lt = lax.dot_general(
            w_ref[...], x_ref[pl.ds(k * _SB, _SB), :],
            (((1,), (1,)), ((), ())),
            preferred_element_type=jnp.float32,
            precision=lax.Precision.DEFAULT,
        ) + b_ref[...]
        idx0, p0 = _argmax_cols(lt[:_V])
        idx1, p1 = _argmax_cols(lt[_V:])
        parts.append(jnp.concatenate([idx0, idx1 + _V], axis=0))
        c0 = p0 if c0 is None else c0 + p0
        c1 = p1 if c1 is None else c1 + p1
    idx_t = jnp.concatenate(parts, axis=1)
    idx_ref[...] = jnp.transpose(idx_t, (1, 0))

    @pl.when(i == 0)
    def _():
        acc0[...] = c0
        acc1[...] = c1

    @pl.when(i > 0)
    def _():
        acc0[...] += c0
        acc1[...] += c1

    @pl.when(i == _NBLK - 1)
    def _():
        p0 = jnp.sum(acc0[...], axis=1, keepdims=True) * (1.0 / _T)
        p1 = jnp.sum(acc1[...], axis=1, keepdims=True) * (1.0 / _T)
        e0 = -jnp.sum(p0 * jnp.log(p0 + 1e-7), keepdims=True)
        e1 = -jnp.sum(p1 * jnp.log(p1 + 1e-7), keepdims=True)
        perp_ref[...] = jnp.exp(e0) + jnp.exp(e1)


@functools.lru_cache(maxsize=1)
def _make_sc_gather():
    @functools.partial(
        pl.kernel,
        mesh=plsc.VectorSubcoreMesh(core_axis_name="c", subcore_axis_name="s"),
        out_type=jax.ShapeDtypeStruct((_ROWS, _D), jnp.float32),
        scratch_types=[
            pltpu.VMEM((_G * _V, _D), jnp.float32),
            pltpu.VMEM_SHARED((_G * _V, _D), jnp.float32),
            pltpu.VMEM((_RPW,), jnp.int32),
            pltpu.VMEM((2, _CHUNK, _D), jnp.float32),
            pltpu.SemaphoreType.DMA,
            pltpu.SemaphoreType.DMA,
            pltpu.SemaphoreType.DMA,
            pltpu.SemaphoreType.DMA,
        ],
    )
    def _sc_gather(cv_hbm, idx_hbm, out_hbm, stage_v, shared, idx_v, rows_v,
                   g0, g1, s0, s1):
        sid = lax.axis_index("s")
        wid = sid * _NC + lax.axis_index("c")
        base = wid * _RPW

        @pl.when(sid == 0)
        def _():
            pltpu.sync_copy(cv_hbm, stage_v)
            pltpu.sync_copy(stage_v, shared)

        pltpu.sync_copy(idx_hbm.at[pl.ds(base, _RPW)], idx_v)
        plsc.subcore_barrier()

        gsem = [g0, g1]
        ssem = [s0, s1]

        def gather(c):
            return pltpu.async_copy(
                shared.at[idx_v.at[pl.ds(c * _CHUNK, _CHUNK)]],
                rows_v.at[c % 2], gsem[c % 2])

        def store(c):
            return pltpu.async_copy(
                rows_v.at[c % 2], out_hbm.at[pl.ds(base + c * _CHUNK, _CHUNK)],
                ssem[c % 2])

        prev_g = gather(0)
        prev_s = None
        for c in range(_NCH):
            prev_g.wait()
            if prev_s is not None:
                prev_s.wait()
            if c + 1 < _NCH:
                prev_g = gather(c + 1)
            prev_s = store(c)
        prev_s.wait()

    return _sc_gather


@jax.jit
def kernel(hidden_states, W, b, codevectors):
    x = hidden_states.reshape(_T, _H)
    b2 = b.reshape(_G * _V, 1)
    idx, perp = pl.pallas_call(
        _tc_body,
        grid=(_NBLK,),
        in_specs=[
            pl.BlockSpec((_TB, _H), lambda i: (i, 0)),
            pl.BlockSpec((_G * _V, _H), lambda i: (0, 0)),
            pl.BlockSpec((_G * _V, 1), lambda i: (0, 0)),
        ],
        out_specs=[
            pl.BlockSpec((_TB, _G), lambda i: (i, 0)),
            pl.BlockSpec((1, 1), lambda i: (0, 0)),
        ],
        out_shape=[
            jax.ShapeDtypeStruct((_T, _G), jnp.int32),
            jax.ShapeDtypeStruct((1, 1), jnp.float32),
        ],
        scratch_shapes=[
            pltpu.VMEM((_V, _LW), jnp.float32),
            pltpu.VMEM((_V, _LW), jnp.float32),
        ],
    )(x, W, b2)
    cv_flat = codevectors.reshape(_G * _V, _D)
    out = _make_sc_gather()(cv_flat, idx.reshape(_ROWS))
    return out.reshape(_B, _S, _G * _D), perp[0, 0]

# --- scband reference (transcript-rebuilt; emitter-appended) ---
"""Pipeline reference for scband-wav2-vec2-gumbel-vector-quantizer-50938312131005 (READ-ONLY COPY).

The authoritative reference and input builder live on the scoring server;
editing this copy changes nothing except your own understanding.
"""

import jax, jax.numpy as jnp
import numpy as np

B, S, H = 8, 2048, 512
G, V = 2, 320
CD = 256
D = CD // G

def setup_inputs(seed: int = 0) -> dict:
    key = jax.random.key(seed)
    k1, k2, k3 = jax.random.split(key, 3)
    hidden_states = jax.random.normal(k1, (B, S, H), dtype=jnp.float32)
    W = jax.random.normal(k2, (G * V, H), dtype=jnp.float32) * 0.02
    b = jnp.zeros((G * V,), dtype=jnp.float32)
    codevectors = jax.random.normal(k3, (1, G * V, D), dtype=jnp.float32)
    return {"hidden_states": hidden_states, "W": W, "b": b, "codevectors": codevectors}

def reference(hidden_states, W, b, codevectors):
    # eval-mode path of Wav2Vec2GumbelVectorQuantizer (self.training == False)
    batch, seq, hid = hidden_states.shape
    logits = hidden_states @ W.T + b                      # weight_proj: [B,S,G*V]
    flat = logits.reshape(batch * seq * G, V)
    codevector_idx = jnp.argmax(flat, axis=-1)            # hard assignment per group
    codevector_probs = jax.nn.one_hot(codevector_idx, V, dtype=flat.dtype)  # scatter 1.0 at argmax
    probs_g = codevector_probs.reshape(batch * seq, G, V)
    # _compute_perplexity with mask=None
    marginal_probs = probs_g.mean(axis=0)
    perplexity = jnp.exp(-jnp.sum(marginal_probs * jnp.log(marginal_probs + 1e-07), axis=-1)).sum()
    # codevector mixing: probs.unsqueeze(-1) * codevectors, view [T,G,V,D], sum over V
    cv = codevectors.reshape(G, V, D)
    out = jnp.einsum('tgv,gvd->tgd', probs_g, cv)
    out = out.reshape(batch, seq, G * D)
    return out, perplexity

if __name__ == "__main__":
    import jax
    _d = setup_inputs()
    print(jax.jit(kernel)(*tuple(_d.values())))

</pallas_src>

<mosaic_0001>
#map = affine_map<(d0, d1) -> (0, 0)>
#map1 = affine_map<(d0, d1) -> (0)>
module attributes {stable_mosaic.version = 14 : i64} {
  func.func @_sc_gather(%arg0: i32, %arg1: i32, %arg2: memref<640x128xf32, #tpu.memory_space<hbm>>, %arg3: memref<32768xi32, #tpu.memory_space<hbm>>, %arg4: memref<32768x128xf32, #tpu.memory_space<hbm>>, %arg5: memref<640x128xf32, #tpu.memory_space<vmem>>, %arg6: memref<640x128xf32, #tpu.memory_space<vmem_shared>>, %arg7: memref<1024xi32, #tpu.memory_space<vmem>>, %arg8: memref<2x128x128xf32, #tpu.memory_space<vmem>>, %arg9: memref<!tpu.dma_semaphore, #tpu.memory_space<semaphore_mem>>, %arg10: memref<!tpu.dma_semaphore, #tpu.memory_space<semaphore_mem>>, %arg11: memref<!tpu.dma_semaphore, #tpu.memory_space<semaphore_mem>>, %arg12: memref<!tpu.dma_semaphore, #tpu.memory_space<semaphore_mem>>) attributes {dimension_semantics = [#tpu.dimension_semantics<core_parallel>, #tpu.dimension_semantics<subcore_parallel>], iteration_bounds = array<i64: 2, 16>, scalar_prefetch = 0 : i64, scratch_operands = 8 : i64, tpu.core_type = #tpu.core_type<sc_vector_subcore>, window_params = [{transform_indices = #map}, {transform_indices = #map1}, {transform_indices = #map}]} {
    %mul3A = arith.constant 2 : i32
    %mul3A_0 = arith.muli %arg1, %mul3A : i32
    %add3A = arith.addi %mul3A_0, %arg0 : i32
    %mul3A_1 = arith.constant 1024 : i32
    %mul3A_2 = arith.muli %add3A, %mul3A_1 : i32
    %eq3A = arith.constant 0 : i32
    %eq3A_3 = arith.cmpi eq, %arg1, %eq3A : i32
    %convert_element_type3A = arith.extui %eq3A_3 : i1 to i32
    %cond3A = arith.constant 0 : i32
    %cond3A_4 = arith.cmpi ne, %convert_element_type3A, %cond3A : i32
    scf.if %cond3A_4 {
      "tpu.region"() ({
        %run_scoped3A = tpu.sem_alloc : memref<!tpu.dma_semaphore, #tpu.memory_space<semaphore_mem>>
        tpu.enqueue_dma source(%arg2 : memref<640x128xf32, #tpu.memory_space<hbm>>) target(%arg5 : memref<640x128xf32, #tpu.memory_space<vmem>>) target_semaphore(%run_scoped3A : memref<!tpu.dma_semaphore, #tpu.memory_space<semaphore_mem>>)
        tpu.wait_dma2 semaphore(%run_scoped3A : memref<!tpu.dma_semaphore, #tpu.memory_space<semaphore_mem>>) src(%arg2 : memref<640x128xf32, #tpu.memory_space<hbm>>) dst(%arg5 : memref<640x128xf32, #tpu.memory_space<vmem>>)
        tpu.yield
      }) : () -> ()
      "tpu.region"() ({
        %run_scoped3A = tpu.sem_alloc : memref<!tpu.dma_semaphore, #tpu.memory_space<semaphore_mem>>
        tpu.enqueue_dma source(%arg5 : memref<640x128xf32, #tpu.memory_space<vmem>>) target(%arg6 : memref<640x128xf32, #tpu.memory_space<vmem_shared>>) target_semaphore(%run_scoped3A : memref<!tpu.dma_semaphore, #tpu.memory_space<semaphore_mem>>)
        tpu.wait_dma2 semaphore(%run_scoped3A : memref<!tpu.dma_semaphore, #tpu.memory_space<semaphore_mem>>) src(%arg5 : memref<640x128xf32, #tpu.memory_space<vmem>>) dst(%arg6 : memref<640x128xf32, #tpu.memory_space<vmem_shared>>)
        tpu.yield
      }) : () -> ()
    } else {
    }
    "tpu.region"() ({
      %run_scoped3A = tpu.sem_alloc : memref<!tpu.dma_semaphore, #tpu.memory_space<semaphore_mem>>
      %dma_start3A_387 = tpu.memref_slice %arg3[%mul3A_2] : memref<32768xi32, #tpu.memory_space<hbm>> -> memref<1024xi32, #tpu.memory_space<hbm>>
      %dma_start3A_388 = tpu.memref_slice %arg3[%mul3A_2] : memref<32768xi32, #tpu.memory_space<hbm>> -> memref<1024xi32, #tpu.memory_space<hbm>>
      tpu.enqueue_dma source(%dma_start3A_388 : memref<1024xi32, #tpu.memory_space<hbm>>) target(%arg7 : memref<1024xi32, #tpu.memory_space<vmem>>) target_semaphore(%run_scoped3A : memref<!tpu.dma_semaphore, #tpu.memory_space<semaphore_mem>>)
      %dma_wait3A_389 = tpu.memref_slice %arg3[%mul3A_2] : memref<32768xi32, #tpu.memory_space<hbm>> -> memref<1024xi32, #tpu.memory_space<hbm>>
      %dma_wait3A_390 = tpu.memref_slice %arg3[%mul3A_2] : memref<32768xi32, #tpu.memory_space<hbm>> -> memref<1024xi32, #tpu.memory_space<hbm>>
      tpu.wait_dma2 semaphore(%run_scoped3A : memref<!tpu.dma_semaphore, #tpu.memory_space<semaphore_mem>>) src(%dma_wait3A_390 : memref<1024xi32, #tpu.memory_space<hbm>>) dst(%arg7 : memref<1024xi32, #tpu.memory_space<vmem>>)
      tpu.yield
    }) : () -> ()
    %barrier3A = arith.constant 0 : index
    tpu.barrier barrier_id(%barrier3A)
    %dma_start3A = arith.constant 0 : i32
    %dma_start3A_5 = arith.constant 0 : i32
    %dma_start3A_6 = arith.constant 0 : i32
    %dma_start3A_7 = tpu.memref_slice %arg8[%dma_start3A, %dma_start3A_5, %dma_start3A_6] : memref<2x128x128xf32, #tpu.memory_space<vmem>> -> memref<1x128x128xf32, #tpu.memory_space<vmem>>
    %dma_start3A_8 = tpu.memref_squeeze %dma_start3A_7 : memref<1x128x128xf32, #tpu.memory_space<vmem>> -> memref<128x128xf32, #tpu.memory_space<vmem>>
    %dma_start3A_9 = arith.constant 0 : i32
    %dma_start3A_10 = tpu.memref_slice %arg7[%dma_start3A_9] : memref<1024xi32, #tpu.memory_space<vmem>> -> memref<128xi32, #tpu.memory_space<vmem>>
    %dma_start3A_11 = arith.constant 0 : i32
    %dma_start3A_12 = arith.constant 0 : i32
    %dma_start3A_13 = tpu.memref_slice %arg6[%dma_start3A_11, %dma_start3A_12] : memref<640x128xf32, #tpu.memory_space<vmem_shared>> -> memref<640x128xf32, #tpu.memory_space<vmem_shared>>
    tpu.enqueue_indirect_dma source(%dma_start3A_13 : memref<640x128xf32, #tpu.memory_space<vmem_shared>>) target(%dma_start3A_8 : memref<128x128xf32, #tpu.memory_space<vmem>>) offsets(%dma_start3A_10 : memref<128xi32, #tpu.memory_space<vmem>>) semaphore(%arg9 : memref<!tpu.dma_semaphore, #tpu.memory_space<semaphore_mem>>)
    %dma_wait3A = arith.constant 0 : i32
    %dma_wait3A_14 = arith.constant 0 : i32
    %dma_wait3A_15 = arith.constant 0 : i32
    %dma_wait3A_16 = tpu.memref_slice %arg8[%dma_wait3A, %dma_wait3A_14, %dma_wait3A_15] : memref<2x128x128xf32, #tpu.memory_space<vmem>> -> memref<1x128x128xf32, #tpu.memory_space<vmem>>
    %dma_wait3A_17 = tpu.memref_squeeze %dma_wait3A_16 : memref<1x128x128xf32, #tpu.memory_space<vmem>> -> memref<128x128xf32, #tpu.memory_space<vmem>>
    %dma_wait3A_18 = arith.constant 0 : i32
    %dma_wait3A_19 = tpu.memref_slice %arg7[%dma_wait3A_18] : memref<1024xi32, #tpu.memory_space<vmem>> -> memref<128xi32, #tpu.memory_space<vmem>>
    %dma_wait3A_20 = arith.constant 0 : i32
    %dma_wait3A_21 = arith.constant 0 : i32
    %dma_wait3A_22 = tpu.memref_slice %arg6[%dma_wait3A_20, %dma_wait3A_21] : memref<640x128xf32, #tpu.memory_space<vmem_shared>> -> memref<640x128xf32, #tpu.memory_space<vmem_shared>>
    tpu.wait_indirect_dma semaphore(%arg9 : memref<!tpu.dma_semaphore, #tpu.memory_space<semaphore_mem>>) src(%dma_wait3A_22 : memref<640x128xf32, #tpu.memory_space<vmem_shared>>) dst(%dma_wait3A_17 : memref<128x128xf32, #tpu.memory_space<vmem>>)
    %dma_start3A_23 = arith.constant 1 : i32
    %dma_start3A_24 = arith.constant 0 : i32
    %dma_start3A_25 = arith.constant 0 : i32
    %dma_start3A_26 = tpu.memref_slice %arg8[%dma_start3A_23, %dma_start3A_24, %dma_start3A_25] : memref<2x128x128xf32, #tpu.memory_space<vmem>> -> memref<1x128x128xf32, #tpu.memory_space<vmem>>
    %dma_start3A_27 = tpu.memref_squeeze %dma_start3A_26 : memref<1x128x128xf32, #tpu.memory_space<vmem>> -> memref<128x128xf32, #tpu.memory_space<vmem>>
    %dma_start3A_28 = arith.constant 128 : i32
    %dma_start3A_29 = tpu.memref_slice %arg7[%dma_start3A_28] : memref<1024xi32, #tpu.memory_space<vmem>> -> memref<128xi32, #tpu.memory_space<vmem>>
    %dma_start3A_30 = arith.constant 0 : i32
    %dma_start3A_31 = arith.constant 0 : i32
    %dma_start3A_32 = tpu.memref_slice %arg6[%dma_start3A_30, %dma_start3A_31] : memref<640x128xf32, #tpu.memory_space<vmem_shared>> -> memref<640x128xf32, #tpu.memory_space<vmem_shared>>
    tpu.enqueue_indirect_dma source(%dma_start3A_32 : memref<640x128xf32, #tpu.memory_space<vmem_shared>>) target(%dma_start3A_27 : memref<128x128xf32, #tpu.memory_space<vmem>>) offsets(%dma_start3A_29 : memref<128xi32, #tpu.memory_space<vmem>>) semaphore(%arg10 : memref<!tpu.dma_semaphore, #tpu.memory_space<semaphore_mem>>)
    %add3A_33 = arith.constant 0 : i32
    %add3A_34 = arith.addi %mul3A_2, %add3A_33 : i32
    %dma_start3A_35 = arith.constant 0 : i32
    %dma_start3A_36 = arith.constant 0 : i32
    %dma_start3A_37 = arith.constant 0 : i32
    %dma_start3A_38 = tpu.memref_slice %arg8[%dma_start3A_35, %dma_start3A_36, %dma_start3A_37] : memref<2x128x128xf32, #tpu.memory_space<vmem>> -> memref<1x128x128xf32, #tpu.memory_space<vmem>>
    %dma_start3A_39 = tpu.memref_squeeze %dma_start3A_38 : memref<1x128x128xf32, #tpu.memory_space<vmem>> -> memref<128x128xf32, #tpu.memory_space<vmem>>
    %dma_start3A_40 = arith.constant 0 : i32
    %dma_start3A_41 = tpu.memref_slice %arg4[%add3A_34, %dma_start3A_40] : memref<32768x128xf32, #tpu.memory_space<hbm>> -> memref<128x128xf32, #tpu.memory_space<hbm>>
    %dma_start3A_42 = arith.constant 0 : i32
    %dma_start3A_43 = tpu.memref_slice %arg4[%add3A_34, %dma_start3A_42] : memref<32768x128xf32, #tpu.memory_space<hbm>> -> memref<128x128xf32, #tpu.memory_space<hbm>>
    %dma_start3A_44 = arith.constant 0 : i32
    %dma_start3A_45 = arith.constant 0 : i32
    %dma_start3A_46 = tpu.memref_slice %arg8[%dma_start3A_35, %dma_start3A_44, %dma_start3A_45] : memref<2x128x128xf32, #tpu.memory_space<vmem>> -> memref<1x128x128xf32, #tpu.memory_space<vmem>>
    %dma_start3A_47 = tpu.memref_squeeze %dma_start3A_46 : memref<1x128x128xf32, #tpu.memory_space<vmem>> -> memref<128x128xf32, #tpu.memory_space<vmem>>
    tpu.enqueue_dma source(%dma_start3A_47 : memref<128x128xf32, #tpu.memory_space<vmem>>) target(%dma_start3A_43 : memref<128x128xf32, #tpu.memory_space<hbm>>) target_semaphore(%arg11 : memref<!tpu.dma_semaphore, #tpu.memory_space<semaphore_mem>>)
    %dma_wait3A_48 = arith.constant 1 : i32
    %dma_wait3A_49 = arith.constant 0 : i32
    %dma_wait3A_50 = arith.constant 0 : i32
    %dma_wait3A_51 = tpu.memref_slice %arg8[%dma_wait3A_48, %dma_wait3A_49, %dma_wait3A_50] : memref<2x128x128xf32, #tpu.memory_space<vmem>> -> memref<1x128x128xf32, #tpu.memory_space<vmem>>
    %dma_wait3A_52 = tpu.memref_squeeze %dma_wait3A_51 : memref<1x128x128xf32, #tpu.memory_space<vmem>> -> memref<128x128xf32, #tpu.memory_space<vmem>>
    %dma_wait3A_53 = arith.constant 128 : i32
    %dma_wait3A_54 = tpu.memref_slice %arg7[%dma_wait3A_53] : memref<1024xi32, #tpu.memory_space<vmem>> -> memref<128xi32, #tpu.memory_space<vmem>>
    %dma_wait3A_55 = arith.constant 0 : i32
    %dma_wait3A_56 = arith.constant 0 : i32
    %dma_wait3A_57 = tpu.memref_slice %arg6[%dma_wait3A_55, %dma_wait3A_56] : memref<640x128xf32, #tpu.memory_space<vmem_shared>> -> memref<640x128xf32, #tpu.memory_space<vmem_shared>>
    tpu.wait_indirect_dma semaphore(%arg10 : memref<!tpu.dma_semaphore, #tpu.memory_space<semaphore_mem>>) src(%dma_wait3A_57 : memref<640x128xf32, #tpu.memory_space<vmem_shared>>) dst(%dma_wait3A_52 : memref<128x128xf32, #tpu.memory_space<vmem>>)
    %dma_wait3A_58 = arith.constant 0 : i32
    %dma_wait3A_59 = arith.constant 0 : i32
    %dma_wait3A_60 = arith.constant 0 : i32
    %dma_wait3A_61 = tpu.memref_slice %arg8[%dma_wait3A_58, %dma_wait3A_59, %dma_wait3A_60] : memref<2x128x128xf32, #tpu.memory_space<vmem>> -> memref<1x128x128xf32, #tpu.memory_space<vmem>>
    %dma_wait3A_62 = tpu.memref_squeeze %dma_wait3A_61 : memref<1x128x128xf32, #tpu.memory_space<vmem>> -> memref<128x128xf32, #tpu.memory_space<vmem>>
    %dma_wait3A_63 = arith.constant 0 : i32
    %dma_wait3A_64 = tpu.memref_slice %arg4[%add3A_34, %dma_wait3A_63] : memref<32768x128xf32, #tpu.memory_space<hbm>> -> memref<128x128xf32, #tpu.memory_space<hbm>>
    %dma_wait3A_65 = arith.constant 0 : i32
    %dma_wait3A_66 = tpu.memref_slice %arg4[%add3A_34, %dma_wait3A_65] : memref<32768x128xf32, #tpu.memory_space<hbm>> -> memref<128x128xf32, #tpu.memory_space<hbm>>
    %dma_wait3A_67 = arith.constant 0 : i32
    %dma_wait3A_68 = arith.constant 0 : i32
    %dma_wait3A_69 = tpu.memref_slice %arg8[%dma_wait3A_58, %dma_wait3A_67, %dma_wait3A_68] : memref<2x128x128xf32, #tpu.memory_space<vmem>> -> memref<1x128x128xf32, #tpu.memory_space<vmem>>
    %dma_wait3A_70 = tpu.memref_squeeze %dma_wait3A_69 : memref<1x128x128xf32, #tpu.memory_space<vmem>> -> memref<128x128xf32, #tpu.memory_space<vmem>>
    tpu.wait_dma2 semaphore(%arg11 : memref<!tpu.dma_semaphore, #tpu.memory_space<semaphore_mem>>) src(%dma_wait3A_70 : memref<128x128xf32, #tpu.memory_space<vmem>>) dst(%dma_wait3A_66 : memref<128x128xf32, #tpu.memory_space<hbm>>)
    %dma_start3A_71 = arith.constant 0 : i32
    %dma_start3A_72 = arith.constant 0 : i32
    %dma_start3A_73 = arith.constant 0 : i32
    %dma_start3A_74 = tpu.memref_slice %arg8[%dma_start3A_71, %dma_start3A_72, %dma_start3A_73] : memref<2x128x128xf32, #tpu.memory_space<vmem>> -> memref<1x128x128xf32, #tpu.memory_space<vmem>>
    %dma_start3A_75 = tpu.memref_squeeze %dma_start3A_74 : memref<1x128x128xf32, #tpu.memory_space<vmem>> -> memref<128x128xf32, #tpu.memory_space<vmem>>
    %dma_start3A_76 = arith.constant 256 : i32
    %dma_start3A_77 = tpu.memref_slice %arg7[%dma_start3A_76] : memref<1024xi32, #tpu.memory_space<vmem>> -> memref<128xi32, #tpu.memory_space<vmem>>
    %dma_start3A_78 = arith.constant 0 : i32
    %dma_start3A_79 = arith.constant 0 : i32
    %dma_start3A_80 = tpu.memref_slice %arg6[%dma_start3A_78, %dma_start3A_79] : memref<640x128xf32, #tpu.memory_space<vmem_shared>> -> memref<640x128xf32, #tpu.memory_space<vmem_shared>>
    tpu.enqueue_indirect_dma source(%dma_start3A_80 : memref<640x128xf32, #tpu.memory_space<vmem_shared>>) target(%dma_start3A_75 : memref<128x128xf32, #tpu.memory_space<vmem>>) offsets(%dma_start3A_77 : memref<128xi32, #tpu.memory_space<vmem>>) semaphore(%arg9 : memref<!tpu.dma_semaphore, #tpu.memory_space<semaphore_mem>>)
    %add3A_81 = arith.constant 128 : i32
    %add3A_82 = arith.addi %mul3A_2, %add3A_81 : i32
    %dma_start3A_83 = arith.constant 1 : i32
    %dma_start3A_84 = arith.constant 0 : i32
    %dma_start3A_85 = arith.constant 0 : i32
    %dma_start3A_86 = tpu.memref_slice %arg8[%dma_start3A_83, %dma_start3A_84, %dma_start3A_85] : memref<2x128x128xf32, #tpu.memory_space<vmem>> -> memref<1x128x128xf32, #tpu.memory_space<vmem>>
    %dma_start3A_87 = tpu.memref_squeeze %dma_start3A_86 : memref<1x128x128xf32, #tpu.memory_space<vmem>> -> memref<128x128xf32, #tpu.memory_space<vmem>>
    %dma_start3A_88 = arith.constant 0 : i32
    %dma_start3A_89 = tpu.memref_slice %arg4[%add3A_82, %dma_start3A_88] : memref<32768x128xf32, #tpu.memory_space<hbm>> -> memref<128x128xf32, #tpu.memory_space<hbm>>
    %dma_start3A_90 = arith.constant 0 : i32
    %dma_start3A_91 = tpu.memref_slice %arg4[%add3A_82, %dma_start3A_90] : memref<32768x128xf32, #tpu.memory_space<hbm>> -> memref<128x128xf32, #tpu.memory_space<hbm>>
    %dma_start3A_92 = arith.constant 0 : i32
    %dma_start3A_93 = arith.constant 0 : i32
    %dma_start3A_94 = tpu.memref_slice %arg8[%dma_start3A_83, %dma_start3A_92, %dma_start3A_93] : memref<2x128x128xf32, #tpu.memory_space<vmem>> -> memref<1x128x128xf32, #tpu.memory_space<vmem>>
    %dma_start3A_95 = tpu.memref_squeeze %dma_start3A_94 : memref<1x128x128xf32, #tpu.memory_space<vmem>> -> memref<128x128xf32, #tpu.memory_space<vmem>>
    tpu.enqueue_dma source(%dma_start3A_95 : memref<128x128xf32, #tpu.memory_space<vmem>>) target(%dma_start3A_91 : memref<128x128xf32, #tpu.memory_space<hbm>>) target_semaphore(%arg12 : memref<!tpu.dma_semaphore, #tpu.memory_space<semaphore_mem>>)
    %dma_wait3A_96 = arith.constant 0 : i32
    %dma_wait3A_97 = arith.constant 0 : i32
    %dma_wait3A_98 = arith.constant 0 : i32
    %dma_wait3A_99 = tpu.memref_slice %arg8[%dma_wait3A_96, %dma_wait3A_97, %dma_wait3A_98] : memref<2x128x128xf32, #tpu.memory_space<vmem>> -> memref<1x128x128xf32, #tpu.memory_space<vmem>>
    %dma_wait3A_100 = tpu.memref_squeeze %dma_wait3A_99 : memref<1x128x128xf32, #tpu.memory_space<vmem>> -> memref<128x128xf32, #tpu.memory_space<vmem>>
    %dma_wait3A_101 = arith.constant 256 : i32
    %dma_wait3A_102 = tpu.memref_slice %arg7[%dma_wait3A_101] : memref<1024xi32, #tpu.memory_space<vmem>> -> memref<128xi32, #tpu.memory_space<vmem>>
    %dma_wait3A_103 = arith.constant 0 : i32
    %dma_wait3A_104 = arith.constant 0 : i32
    %dma_wait3A_105 = tpu.memref_slice %arg6[%dma_wait3A_103, %dma_wait3A_104] : memref<640x128xf32, #tpu.memory_space<vmem_shared>> -> memref<640x128xf32, #tpu.memory_space<vmem_shared>>
    tpu.wait_indirect_dma semaphore(%arg9 : memref<!tpu.dma_semaphore, #tpu.memory_space<semaphore_mem>>) src(%dma_wait3A_105 : memref<640x128xf32, #tpu.memory_space<vmem_shared>>) dst(%dma_wait3A_100 : memref<128x128xf32, #tpu.memory_space<vmem>>)
    %dma_wait3A_106 = arith.constant 1 : i32
    %dma_wait3A_107 = arith.constant 0 : i32
    %dma_wait3A_108 = arith.constant 0 : i32
    %dma_wait3A_109 = tpu.memref_slice %arg8[%dma_wait3A_106, %dma_wait3A_107, %dma_wait3A_108] : memref<2x128x128xf32, #tpu.memory_space<vmem>> -> memref<1x128x128xf32, #tpu.memory_space<vmem>>
    %dma_wait3A_110 = tpu.memref_squeeze %dma_wait3A_109 : memref<1x128x128xf32, #tpu.memory_space<vmem>> -> memref<128x128xf32, #tpu.memory_space<vmem>>
    %dma_wait3A_111 = arith.constant 0 : i32
    %dma_wait3A_112 = tpu.memref_slice %arg4[%add3A_82, %dma_wait3A_111] : memref<32768x128xf32, #tpu.memory_space<hbm>> -> memref<128x128xf32, #tpu.memory_space<hbm>>
    %dma_wait3A_113 = arith.constant 0 : i32
    %dma_wait3A_114 = tpu.memref_slice %arg4[%add3A_82, %dma_wait3A_113] : memref<32768x128xf32, #tpu.memory_space<hbm>> -> memref<128x128xf32, #tpu.memory_space<hbm>>
    %dma_wait3A_115 = arith.constant 0 : i32
    %dma_wait3A_116 = arith.constant 0 : i32
    %dma_wait3A_117 = tpu.memref_slice %arg8[%dma_wait3A_106, %dma_wait3A_115, %dma_wait3A_116] : memref<2x128x128xf32, #tpu.memory_space<vmem>> -> memref<1x128x128xf32, #tpu.memory_space<vmem>>
    %dma_wait3A_118 = tpu.memref_squeeze %dma_wait3A_117 : memref<1x128x128xf32, #tpu.memory_space<vmem>> -> memref<128x128xf32, #tpu.memory_space<vmem>>
    tpu.wait_dma2 semaphore(%arg12 : memref<!tpu.dma_semaphore, #tpu.memory_space<semaphore_mem>>) src(%dma_wait3A_118 : memref<128x128xf32, #tpu.memory_space<vmem>>) dst(%dma_wait3A_114 : memref<128x128xf32, #tpu.memory_space<hbm>>)
    %dma_start3A_119 = arith.constant 1 : i32
    %dma_start3A_120 = arith.constant 0 : i32
    %dma_start3A_121 = arith.constant 0 : i32
    %dma_start3A_122 = tpu.memref_slice %arg8[%dma_start3A_119, %dma_start3A_120, %dma_start3A_121] : memref<2x128x128xf32, #tpu.memory_space<vmem>> -> memref<1x128x128xf32, #tpu.memory_space<vmem>>
    %dma_start3A_123 = tpu.memref_squeeze %dma_start3A_122 : memref<1x128x128xf32, #tpu.memory_space<vmem>> -> memref<128x128xf32, #tpu.memory_space<vmem>>
    %dma_start3A_124 = arith.constant 384 : i32
    %dma_start3A_125 = tpu.memref_slice %arg7[%dma_start3A_124] : memref<1024xi32, #tpu.memory_space<vmem>> -> memref<128xi32, #tpu.memory_space<vmem>>
    %dma_start3A_126 = arith.constant 0 : i32
    %dma_start3A_127 = arith.constant 0 : i32
    %dma_start3A_128 = tpu.memref_slice %arg6[%dma_start3A_126, %dma_start3A_127] : memref<640x128xf32, #tpu.memory_space<vmem_shared>> -> memref<640x128xf32, #tpu.memory_space<vmem_shared>>
    tpu.enqueue_indirect_dma source(%dma_start3A_128 : memref<640x128xf32, #tpu.memory_space<vmem_shared>>) target(%dma_start3A_123 : memref<128x128xf32, #tpu.memory_space<vmem>>) offsets(%dma_start3A_125 : memref<128xi32, #tpu.memory_space<vmem>>) semaphore(%arg10 : memref<!tpu.dma_semaphore, #tpu.memory_space<semaphore_mem>>)
    %add3A_129 = arith.constant 256 : i32
    %add3A_130 = arith.addi %mul3A_2, %add3A_129 : i32
    %dma_start3A_131 = arith.constant 0 : i32
    %dma_start3A_132 = arith.constant 0 : i32
    %dma_start3A_133 = arith.constant 0 : i32
    %dma_start3A_134 = tpu.memref_slice %arg8[%dma_start3A_131, %dma_start3A_132, %dma_start3A_133] : memref<2x128x128xf32, #tpu.memory_space<vmem>> -> memref<1x128x128xf32, #tpu.memory_space<vmem>>
    %dma_start3A_135 = tpu.memref_squeeze %dma_start3A_134 : memref<1x128x128xf32, #tpu.memory_space<vmem>> -> memref<128x128xf32, #tpu.memory_space<vmem>>
    %dma_start3A_136 = arith.constant 0 : i32
    %dma_start3A_137 = tpu.memref_slice %arg4[%add3A_130, %dma_start3A_136] : memref<32768x128xf32, #tpu.memory_space<hbm>> -> memref<128x128xf32, #tpu.memory_space<hbm>>
    %dma_start3A_138 = arith.constant 0 : i32
    %dma_start3A_139 = tpu.memref_slice %arg4[%add3A_130, %dma_start3A_138] : memref<32768x128xf32, #tpu.memory_space<hbm>> -> memref<128x128xf32, #tpu.memory_space<hbm>>
    %dma_start3A_140 = arith.constant 0 : i32
    %dma_start3A_141 = arith.constant 0 : i32
    %dma_start3A_142 = tpu.memref_slice %arg8[%dma_start3A_131, %dma_start3A_140, %dma_start3A_141] : memref<2x128x128xf32, #tpu.memory_space<vmem>> -> memref<1x128x128xf32, #tpu.memory_space<vmem>>
    %dma_start3A_143 = tpu.memref_squeeze %dma_start3A_142 : memref<1x128x128xf32, #tpu.memory_space<vmem>> -> memref<128x128xf32, #tpu.memory_space<vmem>>
    tpu.enqueue_dma source(%dma_start3A_143 : memref<128x128xf32, #tpu.memory_space<vmem>>) target(%dma_start3A_139 : memref<128x128xf32, #tpu.memory_space<hbm>>) target_semaphore(%arg11 : memref<!tpu.dma_semaphore, #tpu.memory_space<semaphore_mem>>)
    %dma_wait3A_144 = arith.constant 1 : i32
    %dma_wait3A_145 = arith.constant 0 : i32
    %dma_wait3A_146 = arith.constant 0 : i32
    %dma_wait3A_147 = tpu.memref_slice %arg8[%dma_wait3A_144, %dma_wait3A_145, %dma_wait3A_146] : memref<2x128x128xf32, #tpu.memory_space<vmem>> -> memref<1x128x128xf32, #tpu.memory_space<vmem>>
    %dma_wait3A_148 = tpu.memref_squeeze %dma_wait3A_147 : memref<1x128x128xf32, #tpu.memory_space<vmem>> -> memref<128x128xf32, #tpu.memory_space<vmem>>
    %dma_wait3A_149 = arith.constant 384 : i32
    %dma_wait3A_150 = tpu.memref_slice %arg7[%dma_wait3A_149] : memref<1024xi32, #tpu.memory_space<vmem>> -> memref<128xi32, #tpu.memory_space<vmem>>
    %dma_wait3A_151 = arith.constant 0 : i32
    %dma_wait3A_152 = arith.constant 0 : i32
    %dma_wait3A_153 = tpu.memref_slice %arg6[%dma_wait3A_151, %dma_wait3A_152] : memref<640x128xf32, #tpu.memory_space<vmem_shared>> -> memref<640x128xf32, #tpu.memory_space<vmem_shared>>
    tpu.wait_indirect_dma semaphore(%arg10 : memref<!tpu.dma_semaphore, #tpu.memory_space<semaphore_mem>>) src(%dma_wait3A_153 : memref<640x128xf32, #tpu.memory_space<vmem_shared>>) dst(%dma_wait3A_148 : memref<128x128xf32, #tpu.memory_space<vmem>>)
    %dma_wait3A_154 = arith.constant 0 : i32
    %dma_wait3A_155 = arith.constant 0 : i32
    %dma_wait3A_156 = arith.constant 0 : i32
    %dma_wait3A_157 = tpu.memref_slice %arg8[%dma_wait3A_154, %dma_wait3A_155, %dma_wait3A_156] : memref<2x128x128xf32, #tpu.memory_space<vmem>> -> memref<1x128x128xf32, #tpu.memory_space<vmem>>
    %dma_wait3A_158 = tpu.memref_squeeze %dma_wait3A_157 : memref<1x128x128xf32, #tpu.memory_space<vmem>> -> memref<128x128xf32, #tpu.memory_space<vmem>>
    %dma_wait3A_159 = arith.constant 0 : i32
    %dma_wait3A_160 = tpu.memref_slice %arg4[%add3A_130, %dma_wait3A_159] : memref<32768x128xf32, #tpu.memory_space<hbm>> -> memref<128x128xf32, #tpu.memory_space<hbm>>
    %dma_wait3A_161 = arith.constant 0 : i32
    %dma_wait3A_162 = tpu.memref_slice %arg4[%add3A_130, %dma_wait3A_161] : memref<32768x128xf32, #tpu.memory_space<hbm>> -> memref<128x128xf32, #tpu.memory_space<hbm>>
    %dma_wait3A_163 = arith.constant 0 : i32
    %dma_wait3A_164 = arith.constant 0 : i32
    %dma_wait3A_165 = tpu.memref_slice %arg8[%dma_wait3A_154, %dma_wait3A_163, %dma_wait3A_164] : memref<2x128x128xf32, #tpu.memory_space<vmem>> -> memref<1x128x128xf32, #tpu.memory_space<vmem>>
    %dma_wait3A_166 = tpu.memref_squeeze %dma_wait3A_165 : memref<1x128x128xf32, #tpu.memory_space<vmem>> -> memref<128x128xf32, #tpu.memory_space<vmem>>
    tpu.wait_dma2 semaphore(%arg11 : memref<!tpu.dma_semaphore, #tpu.memory_space<semaphore_mem>>) src(%dma_wait3A_166 : memref<128x128xf32, #tpu.memory_space<vmem>>) dst(%dma_wait3A_162 : memref<128x128xf32, #tpu.memory_space<hbm>>)
    %dma_start3A_167 = arith.constant 0 : i32
    %dma_start3A_168 = arith.constant 0 : i32
    %dma_start3A_169 = arith.constant 0 : i32
    %dma_start3A_170 = tpu.memref_slice %arg8[%dma_start3A_167, %dma_start3A_168, %dma_start3A_169] : memref<2x128x128xf32, #tpu.memory_space<vmem>> -> memref<1x128x128xf32, #tpu.memory_space<vmem>>
    %dma_start3A_171 = tpu.memref_squeeze %dma_start3A_170 : memref<1x128x128xf32, #tpu.memory_space<vmem>> -> memref<128x128xf32, #tpu.memory_space<vmem>>
    %dma_start3A_172 = arith.constant 512 : i32
    %dma_start3A_173 = tpu.memref_slice %arg7[%dma_start3A_172] : memref<1024xi32, #tpu.memory_space<vmem>> -> memref<128xi32, #tpu.memory_space<vmem>>
    %dma_start3A_174 = arith.constant 0 : i32
    %dma_start3A_175 = arith.constant 0 : i32
    %dma_start3A_176 = tpu.memref_slice %arg6[%dma_start3A_174, %dma_start3A_175] : memref<640x128xf32, #tpu.memory_space<vmem_shared>> -> memref<640x128xf32, #tpu.memory_space<vmem_shared>>
    tpu.enqueue_indirect_dma source(%dma_start3A_176 : memref<640x128xf32, #tpu.memory_space<vmem_shared>>) target(%dma_start3A_171 : memref<128x128xf32, #tpu.memory_space<vmem>>) offsets(%dma_start3A_173 : memref<128xi32, #tpu.memory_space<vmem>>) semaphore(%arg9 : memref<!tpu.dma_semaphore, #tpu.memory_space<semaphore_mem>>)
    %add3A_177 = arith.constant 384 : i32
    %add3A_178 = arith.addi %mul3A_2, %add3A_177 : i32
    %dma_start3A_179 = arith.constant 1 : i32
    %dma_start3A_180 = arith.constant 0 : i32
    %dma_start3A_181 = arith.constant 0 : i32
    %dma_start3A_182 = tpu.memref_slice %arg8[%dma_start3A_179, %dma_start3A_180, %dma_start3A_181] : memref<2x128x128xf32, #tpu.memory_space<vmem>> -> memref<1x128x128xf32, #tpu.memory_space<vmem>>
    %dma_start3A_183 = tpu.memref_squeeze %dma_start3A_182 : memref<1x128x128xf32, #tpu.memory_space<vmem>> -> memref<128x128xf32, #tpu.memory_space<vmem>>
    %dma_start3A_184 = arith.constant 0 : i32
    %dma_start3A_185 = tpu.memref_slice %arg4[%add3A_178, %dma_start3A_184] : memref<32768x128xf32, #tpu.memory_space<hbm>> -> memref<128x128xf32, #tpu.memory_space<hbm>>
    %dma_start3A_186 = arith.constant 0 : i32
    %dma_start3A_187 = tpu.memref_slice %arg4[%add3A_178, %dma_start3A_186] : memref<32768x128xf32, #tpu.memory_space<hbm>> -> memref<128x128xf32, #tpu.memory_space<hbm>>
    %dma_start3A_188 = arith.constant 0 : i32
    %dma_start3A_189 = arith.constant 0 : i32
    %dma_start3A_190 = tpu.memref_slice %arg8[%dma_start3A_179, %dma_start3A_188, %dma_start3A_189] : memref<2x128x128xf32, #tpu.memory_space<vmem>> -> memref<1x128x128xf32, #tpu.memory_space<vmem>>
    %dma_start3A_191 = tpu.memref_squeeze %dma_start3A_190 : memref<1x128x128xf32, #tpu.memory_space<vmem>> -> memref<128x128xf32, #tpu.memory_space<vmem>>
    tpu.enqueue_dma source(%dma_start3A_191 : memref<128x128xf32, #tpu.memory_space<vmem>>) target(%dma_start3A_187 : memref<128x128xf32, #tpu.memory_space<hbm>>) target_semaphore(%arg12 : memref<!tpu.dma_semaphore, #tpu.memory_space<semaphore_mem>>)
    %dma_wait3A_192 = arith.constant 0 : i32
    %dma_wait3A_193 = arith.constant 0 : i32
    %dma_wait3A_194 = arith.constant 0 : i32
    %dma_wait3A_195 = tpu.memref_slice %arg8[%dma_wait3A_192, %dma_wait3A_193, %dma_wait3A_194] : memref<2x128x128xf32, #tpu.memory_space<vmem>> -> memref<1x128x128xf32, #tpu.memory_space<vmem>>
    %dma_wait3A_196 = tpu.memref_squeeze %dma_wait3A_195 : memref<1x128x128xf32, #tpu.memory_space<vmem>> -> memref<128x128xf32, #tpu.memory_space<vmem>>
    %dma_wait3A_197 = arith.constant 512 : i32
    %dma_wait3A_198 = tpu.memref_slice %arg7[%dma_wait3A_197] : memref<1024xi32, #tpu.memory_space<vmem>> -> memref<128xi32, #tpu.memory_space<vmem>>
    %dma_wait3A_199 = arith.constant 0 : i32
    %dma_wait3A_200 = arith.constant 0 : i32
    %dma_wait3A_201 = tpu.memref_slice %arg6[%dma_wait3A_199, %dma_wait3A_200] : memref<640x128xf32, #tpu.memory_space<vmem_shared>> -> memref<640x128xf32, #tpu.memory_space<vmem_shared>>
    tpu.wait_indirect_dma semaphore(%arg9 : memref<!tpu.dma_semaphore, #tpu.memory_space<semaphore_mem>>) src(%dma_wait3A_201 : memref<640x128xf32, #tpu.memory_space<vmem_shared>>) dst(%dma_wait3A_196 : memref<128x128xf32, #tpu.memory_space<vmem>>)
    %dma_wait3A_202 = arith.constant 1 : i32
    %dma_wait3A_203 = arith.constant 0 : i32
    %dma_wait3A_204 = arith.constant 0 : i32
    %dma_wait3A_205 = tpu.memref_slice %arg8[%dma_wait3A_202, %dma_wait3A_203, %dma_wait3A_204] : memref<2x128x128xf32, #tpu.memory_space<vmem>> -> memref<1x128x128xf32, #tpu.memory_space<vmem>>
    %dma_wait3A_206 = tpu.memref_squeeze %dma_wait3A_205 : memref<1x128x128xf32, #tpu.memory_space<vmem>> -> memref<128x128xf32, #tpu.memory_space<vmem>>
    %dma_wait3A_207 = arith.constant 0 : i32
    %dma_wait3A_208 = tpu.memref_slice %arg4[%add3A_178, %dma_wait3A_207] : memref<32768x128xf32, #tpu.memory_space<hbm>> -> memref<128x128xf32, #tpu.memory_space<hbm>>
    %dma_wait3A_209 = arith.constant 0 : i32
    %dma_wait3A_210 = tpu.memref_slice %arg4[%add3A_178, %dma_wait3A_209] : memref<32768x128xf32, #tpu.memory_space<hbm>> -> memref<128x128xf32, #tpu.memory_space<hbm>>
    %dma_wait3A_211 = arith.constant 0 : i32
    %dma_wait3A_212 = arith.constant 0 : i32
    %dma_wait3A_213 = tpu.memref_slice %arg8[%dma_wait3A_202, %dma_wait3A_211, %dma_wait3A_212] : memref<2x128x128xf32, #tpu.memory_space<vmem>> -> memref<1x128x128xf32, #tpu.memory_space<vmem>>
    %dma_wait3A_214 = tpu.memref_squeeze %dma_wait3A_213 : memref<1x128x128xf32, #tpu.memory_space<vmem>> -> memref<128x128xf32, #tpu.memory_space<vmem>>
    tpu.wait_dma2 semaphore(%arg12 : memref<!tpu.dma_semaphore, #tpu.memory_space<semaphore_mem>>) src(%dma_wait3A_214 : memref<128x128xf32, #tpu.memory_space<vmem>>) dst(%dma_wait3A_210 : memref<128x128xf32, #tpu.memory_space<hbm>>)
    %dma_start3A_215 = arith.constant 1 : i32
    %dma_start3A_216 = arith.constant 0 : i32
    %dma_start3A_217 = arith.constant 0 : i32
    %dma_start3A_218 = tpu.memref_slice %arg8[%dma_start3A_215, %dma_start3A_216, %dma_start3A_217] : memref<2x128x128xf32, #tpu.memory_space<vmem>> -> memref<1x128x128xf32, #tpu.memory_space<vmem>>
    %dma_start3A_219 = tpu.memref_squeeze %dma_start3A_218 : memref<1x128x128xf32, #tpu.memory_space<vmem>> -> memref<128x128xf32, #tpu.memory_space<vmem>>
    %dma_start3A_220 = arith.constant 640 : i32
    %dma_start3A_221 = tpu.memref_slice %arg7[%dma_start3A_220] : memref<1024xi32, #tpu.memory_space<vmem>> -> memref<128xi32, #tpu.memory_space<vmem>>
    %dma_start3A_222 = arith.constant 0 : i32
    %dma_start3A_223 = arith.constant 0 : i32
    %dma_start3A_224 = tpu.memref_slice %arg6[%dma_start3A_222, %dma_start3A_223] : memref<640x128xf32, #tpu.memory_space<vmem_shared>> -> memref<640x128xf32, #tpu.memory_space<vmem_shared>>
    tpu.enqueue_indirect_dma source(%dma_start3A_224 : memref<640x128xf32, #tpu.memory_space<vmem_shared>>) target(%dma_start3A_219 : memref<128x128xf32, #tpu.memory_space<vmem>>) offsets(%dma_start3A_221 : memref<128xi32, #tpu.memory_space<vmem>>) semaphore(%arg10 : memref<!tpu.dma_semaphore, #tpu.memory_space<semaphore_mem>>)
    %add3A_225 = arith.constant 512 : i32
    %add3A_226 = arith.addi %mul3A_2, %add3A_225 : i32
    %dma_start3A_227 = arith.constant 0 : i32
    %dma_start3A_228 = arith.constant 0 : i32
    %dma_start3A_229 = arith.constant 0 : i32
    %dma_start3A_230 = tpu.memref_slice %arg8[%dma_start3A_227, %dma_start3A_228, %dma_start3A_229] : memref<2x128x128xf32, #tpu.memory_space<vmem>> -> memref<1x128x128xf32, #tpu.memory_space<vmem>>
    %dma_start3A_231 = tpu.memref_squeeze %dma_start3A_230 : memref<1x128x128xf32, #tpu.memory_space<vmem>> -> memref<128x128xf32, #tpu.memory_space<vmem>>
    %dma_start3A_232 = arith.constant 0 : i32
    %dma_start3A_233 = tpu.memref_slice %arg4[%add3A_226, %dma_start3A_232] : memref<32768x128xf32, #tpu.memory_space<hbm>> -> memref<128x128xf32, #tpu.memory_space<hbm>>
    %dma_start3A_234 = arith.constant 0 : i32
    %dma_start3A_235 = tpu.memref_slice %arg4[%add3A_226, %dma_start3A_234] : memref<32768x128xf32, #tpu.memory_space<hbm>> -> memref<128x128xf32, #tpu.memory_space<hbm>>
    %dma_start3A_236 = arith.constant 0 : i32
    %dma_start3A_237 = arith.constant 0 : i32
    %dma_start3A_238 = tpu.memref_slice %arg8[%dma_start3A_227, %dma_start3A_236, %dma_start3A_237] : memref<2x128x128xf32, #tpu.memory_space<vmem>> -> memref<1x128x128xf32, #tpu.memory_space<vmem>>
    %dma_start3A_239 = tpu.memref_squeeze %dma_start3A_238 : memref<1x128x128xf32, #tpu.memory_space<vmem>> -> memref<128x128xf32, #tpu.memory_space<vmem>>
    tpu.enqueue_dma source(%dma_start3A_239 : memref<128x128xf32, #tpu.memory_space<vmem>>) target(%dma_start3A_235 : memref<128x128xf32, #tpu.memory_space<hbm>>) target_semaphore(%arg11 : memref<!tpu.dma_semaphore, #tpu.memory_space<semaphore_mem>>)
    %dma_wait3A_240 = arith.constant 1 : i32
    %dma_wait3A_241 = arith.constant 0 : i32
    %dma_wait3A_242 = arith.constant 0 : i32
    %dma_wait3A_243 = tpu.memref_slice %arg8[%dma_wait3A_240, %dma_wait3A_241, %dma_wait3A_242] : memref<2x128x128xf32, #tpu.memory_space<vmem>> -> memref<1x128x128xf32, #tpu.memory_space<vmem>>
    %dma_wait3A_244 = tpu.memref_squeeze %dma_wait3A_243 : memref<1x128x128xf32, #tpu.memory_space<vmem>> -> memref<128x128xf32, #tpu.memory_space<vmem>>
    %dma_wait3A_245 = arith.constant 640 : i32
    %dma_wait3A_246 = tpu.memref_slice %arg7[%dma_wait3A_245] : memref<1024xi32, #tpu.memory_space<vmem>> -> memref<128xi32, #tpu.memory_space<vmem>>
    %dma_wait3A_247 = arith.constant 0 : i32
    %dma_wait3A_248 = arith.constant 0 : i32
    %dma_wait3A_249 = tpu.memref_slice %arg6[%dma_wait3A_247, %dma_wait3A_248] : memref<640x128xf32, #tpu.memory_space<vmem_shared>> -> memref<640x128xf32, #tpu.memory_space<vmem_shared>>
    tpu.wait_indirect_dma semaphore(%arg10 : memref<!tpu.dma_semaphore, #tpu.memory_space<semaphore_mem>>) src(%dma_wait3A_249 : memref<640x128xf32, #tpu.memory_space<vmem_shared>>) dst(%dma_wait3A_244 : memref<128x128xf32, #tpu.memory_space<vmem>>)
    %dma_wait3A_250 = arith.constant 0 : i32
    %dma_wait3A_251 = arith.constant 0 : i32
    %dma_wait3A_252 = arith.constant 0 : i32
    %dma_wait3A_253 = tpu.memref_slice %arg8[%dma_wait3A_250, %dma_wait3A_251, %dma_wait3A_252] : memref<2x128x128xf32, #tpu.memory_space<vmem>> -> memref<1x128x128xf32, #tpu.memory_space<vmem>>
    %dma_wait3A_254 = tpu.memref_squeeze %dma_wait3A_253 : memref<1x128x128xf32, #tpu.memory_space<vmem>> -> memref<128x128xf32, #tpu.memory_space<vmem>>
    %dma_wait3A_255 = arith.constant 0 : i32
    %dma_wait3A_256 = tpu.memref_slice %arg4[%add3A_226, %dma_wait3A_255] : memref<32768x128xf32, #tpu.memory_space<hbm>> -> memref<128x128xf32, #tpu.memory_space<hbm>>
    %dma_wait3A_257 = arith.constant 0 : i32
    %dma_wait3A_258 = tpu.memref_slice %arg4[%add3A_226, %dma_wait3A_257] : memref<32768x128xf32, #tpu.memory_space<hbm>> -> memref<128x128xf32, #tpu.memory_space<hbm>>
    %dma_wait3A_259 = arith.constant 0 : i32
    %dma_wait3A_260 = arith.constant 0 : i32
    %dma_wait3A_261 = tpu.memref_slice %arg8[%dma_wait3A_250, %dma_wait3A_259, %dma_wait3A_260] : memref<2x128x128xf32, #tpu.memory_space<vmem>> -> memref<1x128x128xf32, #tpu.memory_space<vmem>>
    %dma_wait3A_262 = tpu.memref_squeeze %dma_wait3A_261 : memref<1x128x128xf32, #tpu.memory_space<vmem>> -> memref<128x128xf32, #tpu.memory_space<vmem>>
    tpu.wait_dma2 semaphore(%arg11 : memref<!tpu.dma_semaphore, #tpu.memory_space<semaphore_mem>>) src(%dma_wait3A_262 : memref<128x128xf32, #tpu.memory_space<vmem>>) dst(%dma_wait3A_258 : memref<128x128xf32, #tpu.memory_space<hbm>>)
    %dma_start3A_263 = arith.constant 0 : i32
    %dma_start3A_264 = arith.constant 0 : i32
    %dma_start3A_265 = arith.constant 0 : i32
    %dma_start3A_266 = tpu.memref_slice %arg8[%dma_start3A_263, %dma_start3A_264, %dma_start3A_265] : memref<2x128x128xf32, #tpu.memory_space<vmem>> -> memref<1x128x128xf32, #tpu.memory_space<vmem>>
    %dma_start3A_267 = tpu.memref_squeeze %dma_start3A_266 : memref<1x128x128xf32, #tpu.memory_space<vmem>> -> memref<128x128xf32, #tpu.memory_space<vmem>>
    %dma_start3A_268 = arith.constant 768 : i32
    %dma_start3A_269 = tpu.memref_slice %arg7[%dma_start3A_268] : memref<1024xi32, #tpu.memory_space<vmem>> -> memref<128xi32, #tpu.memory_space<vmem>>
    %dma_start3A_270 = arith.constant 0 : i32
    %dma_start3A_271 = arith.constant 0 : i32
    %dma_start3A_272 = tpu.memref_slice %arg6[%dma_start3A_270, %dma_start3A_271] : memref<640x128xf32, #tpu.memory_space<vmem_shared>> -> memref<640x128xf32, #tpu.memory_space<vmem_shared>>
    tpu.enqueue_indirect_dma source(%dma_start3A_272 : memref<640x128xf32, #tpu.memory_space<vmem_shared>>) target(%dma_start3A_267 : memref<128x128xf32, #tpu.memory_space<vmem>>) offsets(%dma_start3A_269 : memref<128xi32, #tpu.memory_space<vmem>>) semaphore(%arg9 : memref<!tpu.dma_semaphore, #tpu.memory_space<semaphore_mem>>)
    %add3A_273 = arith.constant 640 : i32
    %add3A_274 = arith.addi %mul3A_2, %add3A_273 : i32
    %dma_start3A_275 = arith.constant 1 : i32
    %dma_start3A_276 = arith.constant 0 : i32
    %dma_start3A_277 = arith.constant 0 : i32
    %dma_start3A_278 = tpu.memref_slice %arg8[%dma_start3A_275, %dma_start3A_276, %dma_start3A_277] : memref<2x128x128xf32, #tpu.memory_space<vmem>> -> memref<1x128x128xf32, #tpu.memory_space<vmem>>
    %dma_start3A_279 = tpu.memref_squeeze %dma_start3A_278 : memref<1x128x128xf32, #tpu.memory_space<vmem>> -> memref<128x128xf32, #tpu.memory_space<vmem>>
    %dma_start3A_280 = arith.constant 0 : i32
    %dma_start3A_281 = tpu.memref_slice %arg4[%add3A_274, %dma_start3A_280] : memref<32768x128xf32, #tpu.memory_space<hbm>> -> memref<128x128xf32, #tpu.memory_space<hbm>>
    %dma_start3A_282 = arith.constant 0 : i32
    %dma_start3A_283 = tpu.memref_slice %arg4[%add3A_274, %dma_start3A_282] : memref<32768x128xf32, #tpu.memory_space<hbm>> -> memref<128x128xf32, #tpu.memory_space<hbm>>
    %dma_start3A_284 = arith.constant 0 : i32
    %dma_start3A_285 = arith.constant 0 : i32
    %dma_start3A_286 = tpu.memref_slice %arg8[%dma_start3A_275, %dma_start3A_284, %dma_start3A_285] : memref<2x128x128xf32, #tpu.memory_space<vmem>> -> memref<1x128x128xf32, #tpu.memory_space<vmem>>
    %dma_start3A_287 = tpu.memref_squeeze %dma_start3A_286 : memref<1x128x128xf32, #tpu.memory_space<vmem>> -> memref<128x128xf32, #tpu.memory_space<vmem>>
    tpu.enqueue_dma source(%dma_start3A_287 : memref<128x128xf32, #tpu.memory_space<vmem>>) target(%dma_start3A_283 : memref<128x128xf32, #tpu.memory_space<hbm>>) target_semaphore(%arg12 : memref<!tpu.dma_semaphore, #tpu.memory_space<semaphore_mem>>)
    %dma_wait3A_288 = arith.constant 0 : i32
    %dma_wait3A_289 = arith.constant 0 : i32
    %dma_wait3A_290 = arith.constant 0 : i32
    %dma_wait3A_291 = tpu.memref_slice %arg8[%dma_wait3A_288, %dma_wait3A_289, %dma_wait3A_290] : memref<2x128x128xf32, #tpu.memory_space<vmem>> -> memref<1x128x128xf32, #tpu.memory_space<vmem>>
    %dma_wait3A_292 = tpu.memref_squeeze %dma_wait3A_291 : memref<1x128x128xf32, #tpu.memory_space<vmem>> -> memref<128x128xf32, #tpu.memory_space<vmem>>
    %dma_wait3A_293 = arith.constant 768 : i32
    %dma_wait3A_294 = tpu.memref_slice %arg7[%dma_wait3A_293] : memref<1024xi32, #tpu.memory_space<vmem>> -> memref<128xi32, #tpu.memory_space<vmem>>
    %dma_wait3A_295 = arith.constant 0 : i32
    %dma_wait3A_296 = arith.constant 0 : i32
    %dma_wait3A_297 = tpu.memref_slice %arg6[%dma_wait3A_295, %dma_wait3A_296] : memref<640x128xf32, #tpu.memory_space<vmem_shared>> -> memref<640x128xf32, #tpu.memory_space<vmem_shared>>
    tpu.wait_indirect_dma semaphore(%arg9 : memref<!tpu.dma_semaphore, #tpu.memory_space<semaphore_mem>>) src(%dma_wait3A_297 : memref<640x128xf32, #tpu.memory_space<vmem_shared>>) dst(%dma_wait3A_292 : memref<128x128xf32, #tpu.memory_space<vmem>>)
    %dma_wait3A_298 = arith.constant 1 : i32
    %dma_wait3A_299 = arith.constant 0 : i32
    %dma_wait3A_300 = arith.constant 0 : i32
    %dma_wait3A_301 = tpu.memref_slice %arg8[%dma_wait3A_298, %dma_wait3A_299, %dma_wait3A_300] : memref<2x128x128xf32, #tpu.memory_space<vmem>> -> memref<1x128x128xf32, #tpu.memory_space<vmem>>
    %dma_wait3A_302 = tpu.memref_squeeze %dma_wait3A_301 : memref<1x128x128xf32, #tpu.memory_space<vmem>> -> memref<128x128xf32, #tpu.memory_space<vmem>>
    %dma_wait3A_303 = arith.constant 0 : i32
    %dma_wait3A_304 = tpu.memref_slice %arg4[%add3A_274, %dma_wait3A_303] : memref<32768x128xf32, #tpu.memory_space<hbm>> -> memref<128x128xf32, #tpu.memory_space<hbm>>
    %dma_wait3A_305 = arith.constant 0 : i32
    %dma_wait3A_306 = tpu.memref_slice %arg4[%add3A_274, %dma_wait3A_305] : memref<32768x128xf32, #tpu.memory_space<hbm>> -> memref<128x128xf32, #tpu.memory_space<hbm>>
    %dma_wait3A_307 = arith.constant 0 : i32
    %dma_wait3A_308 = arith.constant 0 : i32
    %dma_wait3A_309 = tpu.memref_slice %arg8[%dma_wait3A_298, %dma_wait3A_307, %dma_wait3A_308] : memref<2x128x128xf32, #tpu.memory_space<vmem>> -> memref<1x128x128xf32, #tpu.memory_space<vmem>>
    %dma_wait3A_310 = tpu.memref_squeeze %dma_wait3A_309 : memref<1x128x128xf32, #tpu.memory_space<vmem>> -> memref<128x128xf32, #tpu.memory_space<vmem>>
    tpu.wait_dma2 semaphore(%arg12 : memref<!tpu.dma_semaphore, #tpu.memory_space<semaphore_mem>>) src(%dma_wait3A_310 : memref<128x128xf32, #tpu.memory_space<vmem>>) dst(%dma_wait3A_306 : memref<128x128xf32, #tpu.memory_space<hbm>>)
    %dma_start3A_311 = arith.constant 1 : i32
    %dma_start3A_312 = arith.constant 0 : i32
    %dma_start3A_313 = arith.constant 0 : i32
    %dma_start3A_314 = tpu.memref_slice %arg8[%dma_start3A_311, %dma_start3A_312, %dma_start3A_313] : memref<2x128x128xf32, #tpu.memory_space<vmem>> -> memref<1x128x128xf32, #tpu.memory_space<vmem>>
    %dma_start3A_315 = tpu.memref_squeeze %dma_start3A_314 : memref<1x128x128xf32, #tpu.memory_space<vmem>> -> memref<128x128xf32, #tpu.memory_space<vmem>>
    %dma_start3A_316 = arith.constant 896 : i32
    %dma_start3A_317 = tpu.memref_slice %arg7[%dma_start3A_316] : memref<1024xi32, #tpu.memory_space<vmem>> -> memref<128xi32, #tpu.memory_space<vmem>>
    %dma_start3A_318 = arith.constant 0 : i32
    %dma_start3A_319 = arith.constant 0 : i32
    %dma_start3A_320 = tpu.memref_slice %arg6[%dma_start3A_318, %dma_start3A_319] : memref<640x128xf32, #tpu.memory_space<vmem_shared>> -> memref<640x128xf32, #tpu.memory_space<vmem_shared>>
    tpu.enqueue_indirect_dma source(%dma_start3A_320 : memref<640x128xf32, #tpu.memory_space<vmem_shared>>) target(%dma_start3A_315 : memref<128x128xf32, #tpu.memory_space<vmem>>) offsets(%dma_start3A_317 : memref<128xi32, #tpu.memory_space<vmem>>) semaphore(%arg10 : memref<!tpu.dma_semaphore, #tpu.memory_space<semaphore_mem>>)
    %add3A_321 = arith.constant 768 : i32
    %add3A_322 = arith.addi %mul3A_2, %add3A_321 : i32
    %dma_start3A_323 = arith.constant 0 : i32
    %dma_start3A_324 = arith.constant 0 : i32
    %dma_start3A_325 = arith.constant 0 : i32
    %dma_start3A_326 = tpu.memref_slice %arg8[%dma_start3A_323, %dma_start3A_324, %dma_start3A_325] : memref<2x128x128xf32, #tpu.memory_space<vmem>> -> memref<1x128x128xf32, #tpu.memory_space<vmem>>
    %dma_start3A_327 = tpu.memref_squeeze %dma_start3A_326 : memref<1x128x128xf32, #tpu.memory_space<vmem>> -> memref<128x128xf32, #tpu.memory_space<vmem>>
    %dma_start3A_328 = arith.constant 0 : i32
    %dma_start3A_329 = tpu.memref_slice %arg4[%add3A_322, %dma_start3A_328] : memref<32768x128xf32, #tpu.memory_space<hbm>> -> memref<128x128xf32, #tpu.memory_space<hbm>>
    %dma_start3A_330 = arith.constant 0 : i32
    %dma_start3A_331 = tpu.memref_slice %arg4[%add3A_322, %dma_start3A_330] : memref<32768x128xf32, #tpu.memory_space<hbm>> -> memref<128x128xf32, #tpu.memory_space<hbm>>
    %dma_start3A_332 = arith.constant 0 : i32
    %dma_start3A_333 = arith.constant 0 : i32
    %dma_start3A_334 = tpu.memref_slice %arg8[%dma_start3A_323, %dma_start3A_332, %dma_start3A_333] : memref<2x128x128xf32, #tpu.memory_space<vmem>> -> memref<1x128x128xf32, #tpu.memory_space<vmem>>
    %dma_start3A_335 = tpu.memref_squeeze %dma_start3A_334 : memref<1x128x128xf32, #tpu.memory_space<vmem>> -> memref<128x128xf32, #tpu.memory_space<vmem>>
    tpu.enqueue_dma source(%dma_start3A_335 : memref<128x128xf32, #tpu.memory_space<vmem>>) target(%dma_start3A_331 : memref<128x128xf32, #tpu.memory_space<hbm>>) target_semaphore(%arg11 : memref<!tpu.dma_semaphore, #tpu.memory_space<semaphore_mem>>)
    %dma_wait3A_336 = arith.constant 1 : i32
    %dma_wait3A_337 = arith.constant 0 : i32
    %dma_wait3A_338 = arith.constant 0 : i32
    %dma_wait3A_339 = tpu.memref_slice %arg8[%dma_wait3A_336, %dma_wait3A_337, %dma_wait3A_338] : memref<2x128x128xf32, #tpu.memory_space<vmem>> -> memref<1x128x128xf32, #tpu.memory_space<vmem>>
    %dma_wait3A_340 = tpu.memref_squeeze %dma_wait3A_339 : memref<1x128x128xf32, #tpu.memory_space<vmem>> -> memref<128x128xf32, #tpu.memory_space<vmem>>
    %dma_wait3A_341 = arith.constant 896 : i32
    %dma_wait3A_342 = tpu.memref_slice %arg7[%dma_wait3A_341] : memref<1024xi32, #tpu.memory_space<vmem>> -> memref<128xi32, #tpu.memory_space<vmem>>
    %dma_wait3A_343 = arith.constant 0 : i32
    %dma_wait3A_344 = arith.constant 0 : i32
    %dma_wait3A_345 = tpu.memref_slice %arg6[%dma_wait3A_343, %dma_wait3A_344] : memref<640x128xf32, #tpu.memory_space<vmem_shared>> -> memref<640x128xf32, #tpu.memory_space<vmem_shared>>
    tpu.wait_indirect_dma semaphore(%arg10 : memref<!tpu.dma_semaphore, #tpu.memory_space<semaphore_mem>>) src(%dma_wait3A_345 : memref<640x128xf32, #tpu.memory_space<vmem_shared>>) dst(%dma_wait3A_340 : memref<128x128xf32, #tpu.memory_space<vmem>>)
    %dma_wait3A_346 = arith.constant 0 : i32
    %dma_wait3A_347 = arith.constant 0 : i32
    %dma_wait3A_348 = arith.constant 0 : i32
    %dma_wait3A_349 = tpu.memref_slice %arg8[%dma_wait3A_346, %dma_wait3A_347, %dma_wait3A_348] : memref<2x128x128xf32, #tpu.memory_space<vmem>> -> memref<1x128x128xf32, #tpu.memory_space<vmem>>
    %dma_wait3A_350 = tpu.memref_squeeze %dma_wait3A_349 : memref<1x128x128xf32, #tpu.memory_space<vmem>> -> memref<128x128xf32, #tpu.memory_space<vmem>>
    %dma_wait3A_351 = arith.constant 0 : i32
    %dma_wait3A_352 = tpu.memref_slice %arg4[%add3A_322, %dma_wait3A_351] : memref<32768x128xf32, #tpu.memory_space<hbm>> -> memref<128x128xf32, #tpu.memory_space<hbm>>
    %dma_wait3A_353 = arith.constant 0 : i32
    %dma_wait3A_354 = tpu.memref_slice %arg4[%add3A_322, %dma_wait3A_353] : memref<32768x128xf32, #tpu.memory_space<hbm>> -> memref<128x128xf32, #tpu.memory_space<hbm>>
    %dma_wait3A_355 = arith.constant 0 : i32
    %dma_wait3A_356 = arith.constant 0 : i32
    %dma_wait3A_357 = tpu.memref_slice %arg8[%dma_wait3A_346, %dma_wait3A_355, %dma_wait3A_356] : memref<2x128x128xf32, #tpu.memory_space<vmem>> -> memref<1x128x128xf32, #tpu.memory_space<vmem>>
    %dma_wait3A_358 = tpu.memref_squeeze %dma_wait3A_357 : memref<1x128x128xf32, #tpu.memory_space<vmem>> -> memref<128x128xf32, #tpu.memory_space<vmem>>
    tpu.wait_dma2 semaphore(%arg11 : memref<!tpu.dma_semaphore, #tpu.memory_space<semaphore_mem>>) src(%dma_wait3A_358 : memref<128x128xf32, #tpu.memory_space<vmem>>) dst(%dma_wait3A_354 : memref<128x128xf32, #tpu.memory_space<hbm>>)
    %add3A_359 = arith.constant 896 : i32
    %add3A_360 = arith.addi %mul3A_2, %add3A_359 : i32
    %dma_start3A_361 = arith.constant 1 : i32
    %dma_start3A_362 = arith.constant 0 : i32
    %dma_start3A_363 = arith.constant 0 : i32
    %dma_start3A_364 = tpu.memref_slice %arg8[%dma_start3A_361, %dma_start3A_362, %dma_start3A_363] : memref<2x128x128xf32, #tpu.memory_space<vmem>> -> memref<1x128x128xf32, #tpu.memory_space<vmem>>
    %dma_start3A_365 = tpu.memref_squeeze %dma_start3A_364 : memref<1x128x128xf32, #tpu.memory_space<vmem>> -> memref<128x128xf32, #tpu.memory_space<vmem>>
    %dma_start3A_366 = arith.constant 0 : i32
    %dma_start3A_367 = tpu.memref_slice %arg4[%add3A_360, %dma_start3A_366] : memref<32768x128xf32, #tpu.memory_space<hbm>> -> memref<128x128xf32, #tpu.memory_space<hbm>>
    %dma_start3A_368 = arith.constant 0 : i32
    %dma_start3A_369 = tpu.memref_slice %arg4[%add3A_360, %dma_start3A_368] : memref<32768x128xf32, #tpu.memory_space<hbm>> -> memref<128x128xf32, #tpu.memory_space<hbm>>
    %dma_start3A_370 = arith.constant 0 : i32
    %dma_start3A_371 = arith.constant 0 : i32
    %dma_start3A_372 = tpu.memref_slice %arg8[%dma_start3A_361, %dma_start3A_370, %dma_start3A_371] : memref<2x128x128xf32, #tpu.memory_space<vmem>> -> memref<1x128x128xf32, #tpu.memory_space<vmem>>
    %dma_start3A_373 = tpu.memref_squeeze %dma_start3A_372 : memref<1x128x128xf32, #tpu.memory_space<vmem>> -> memref<128x128xf32, #tpu.memory_space<vmem>>
    tpu.enqueue_dma source(%dma_start3A_373 : memref<128x128xf32, #tpu.memory_space<vmem>>) target(%dma_start3A_369 : memref<128x128xf32, #tpu.memory_space<hbm>>) target_semaphore(%arg12 : memref<!tpu.dma_semaphore, #tpu.memory_space<semaphore_mem>>)
    %dma_wait3A_374 = arith.constant 1 : i32
    %dma_wait3A_375 = arith.constant 0 : i32
    %dma_wait3A_376 = arith.constant 0 : i32
    %dma_wait3A_377 = tpu.memref_slice %arg8[%dma_wait3A_374, %dma_wait3A_375, %dma_wait3A_376] : memref<2x128x128xf32, #tpu.memory_space<vmem>> -> memref<1x128x128xf32, #tpu.memory_space<vmem>>
    %dma_wait3A_378 = tpu.memref_squeeze %dma_wait3A_377 : memref<1x128x128xf32, #tpu.memory_space<vmem>> -> memref<128x128xf32, #tpu.memory_space<vmem>>
    %dma_wait3A_379 = arith.constant 0 : i32
    %dma_wait3A_380 = tpu.memref_slice %arg4[%add3A_360, %dma_wait3A_379] : memref<32768x128xf32, #tpu.memory_space<hbm>> -> memref<128x128xf32, #tpu.memory_space<hbm>>
    %dma_wait3A_381 = arith.constant 0 : i32
    %dma_wait3A_382 = tpu.memref_slice %arg4[%add3A_360, %dma_wait3A_381] : memref<32768x128xf32, #tpu.memory_space<hbm>> -> memref<128x128xf32, #tpu.memory_space<hbm>>
    %dma_wait3A_383 = arith.constant 0 : i32
    %dma_wait3A_384 = arith.constant 0 : i32
    %dma_wait3A_385 = tpu.memref_slice %arg8[%dma_wait3A_374, %dma_wait3A_383, %dma_wait3A_384] : memref<2x128x128xf32, #tpu.memory_space<vmem>> -> memref<1x128x128xf32, #tpu.memory_space<vmem>>
    %dma_wait3A_386 = tpu.memref_squeeze %dma_wait3A_385 : memref<1x128x128xf32, #tpu.memory_space<vmem>> -> memref<128x128xf32, #tpu.memory_space<vmem>>
    tpu.wait_dma2 semaphore(%arg12 : memref<!tpu.dma_semaphore, #tpu.memory_space<semaphore_mem>>) src(%dma_wait3A_386 : memref<128x128xf32, #tpu.memory_space<vmem>>) dst(%dma_wait3A_382 : memref<128x128xf32, #tpu.memory_space<hbm>>)
    return
  }
}

module attributes {stable_mosaic.version = 14 : i64} {
  func.func @_tc_body(%arg0: i32, %arg1: memref<2048x512xf32, #tpu.memory_space<vmem>>, %arg2: memref<640x512xf32, #tpu.memory_space<vmem>>, %arg3: memref<640x1xf32, #tpu.memory_space<vmem>>, %arg4: memref<2048x2xi32, #tpu.memory_space<vmem>>, %arg5: memref<1x1xf32, #tpu.memory_space<vmem>>, %arg6: memref<320x128xf32, #tpu.memory_space<vmem>>, %arg7: memref<320x128xf32, #tpu.memory_space<vmem>>) attributes {dimension_semantics = [#tpu.dimension_semantics<arbitrary>], iteration_bounds = array<i64: 8>, scalar_prefetch = 0 : i64, scratch_operands = 2 : i64, tpu.core_type = #tpu.core_type<tc>, window_params = [{transform_indices = @transform_0, window_bounds = array<i64: 2048, 512>}, {pipeline_mode = #tpu.pipeline_mode<synchronous>, transform_indices = @transform_1, window_bounds = array<i64: 640, 512>}, {pipeline_mode = #tpu.pipeline_mode<synchronous>, transform_indices = @transform_2, window_bounds = array<i64: 640, 1>}, {transform_indices = @transform_3, window_bounds = array<i64: 2048, 2>}, {pipeline_mode = #tpu.pipeline_mode<synchronous>, transform_indices = @transform_4, window_bounds = array<i64: 1, 1>}]} {
    %get3A = arith.constant 0 : index
    %get3A_0 = arith.constant 0 : index
    %get3A_1 = vector.load %arg2[%get3A, %get3A_0] : memref<640x512xf32, #tpu.memory_space<vmem>>, vector<640x512xf32>
    %get3A_2 = arith.constant 0 : index
    %get3A_3 = arith.constant 0 : index
    %get3A_4 = vector.load %arg1[%get3A_2, %get3A_3] : memref<2048x512xf32, #tpu.memory_space<vmem>>, vector<512x512xf32>
    %dot_general3A = arith.constant dense<0.000000e+00> : vector<640x512xf32>
    %dot_general3A_5 = tpu.matmul %get3A_1, %get3A_4, %dot_general3A {dimension_numbers = #tpu.dot_dimension_numbers<[1], [1], [0], [0], [0, 0, 1, 0], [], []>, transpose_lhs_hint = false} : vector<640x512xf32>, vector<512x512xf32>, vector<640x512xf32> -> vector<640x512xf32>
    %get3A_6 = arith.constant 0 : index
    %get3A_7 = arith.constant 0 : index
    %get3A_8 = vector.load %arg3[%get3A_6, %get3A_7] : memref<640x1xf32, #tpu.memory_space<vmem>>, vector<640x1xf32>
    %add3A = vector.broadcast %get3A_8 : vector<640x1xf32> to vector<640x512xf32>
    %add3A_9 = arith.addf %dot_general3A_5, %add3A : vector<640x512xf32>
    %slice3A = vector.extract_strided_slice %add3A_9 {offsets = [0, 0], sizes = [320, 512], strides = [1, 1]} : vector<640x512xf32> to vector<320x512xf32>
    %reduce_max3A = arith.constant dense<0xFF800000> : vector<512xf32>
    %reduce_max3A_10 = vector.multi_reduction <maximumf>, %slice3A, %reduce_max3A [0] : vector<320x512xf32> to vector<512xf32>
    %broadcast_in_dim3A = vector.shape_cast %reduce_max3A_10 : vector<512xf32> to vector<1x512xf32>
    %eq3A = vector.broadcast %broadcast_in_dim3A : vector<1x512xf32> to vector<320x512xf32>
    %eq3A_11 = arith.cmpf oeq, %slice3A, %eq3A : vector<320x512xf32>
    %iota3A = tpu.iota {dimensions = array<i32: 0>} : vector<320x512xi32>
    %jit3A = arith.constant 320 : i32
    %broadcast_in_dim3A_12 = vector.broadcast %jit3A : i32 to vector<320x512xi32>
    %select_n3A = arith.select %eq3A_11, %iota3A, %broadcast_in_dim3A_12 : vector<320x512xi1>, vector<320x512xi32>
    %reduce_min3A = arith.constant dense<2147483647> : vector<512xi32>
    %reduce_min3A_13 = vector.multi_reduction <minsi>, %select_n3A, %reduce_min3A [0] : vector<320x512xi32> to vector<512xi32>
    %broadcast_in_dim3A_14 = vector.shape_cast %reduce_min3A_13 : vector<512xi32> to vector<1x512xi32>
    %convert_element_type3A = arith.extui %eq3A_11 : vector<320x512xi1> to vector<320x512xi32>
    %convert_element_type3A_15 = arith.sitofp %convert_element_type3A : vector<320x512xi32> to vector<320x512xf32>
    %slice3A_16 = vector.extract_strided_slice %convert_element_type3A_15 {offsets = [0, 0], sizes = [320, 256], strides = [1, 1]} : vector<320x512xf32> to vector<320x256xf32>
    %slice3A_17 = vector.extract_strided_slice %convert_element_type3A_15 {offsets = [0, 256], sizes = [320, 256], strides = [1, 1]} : vector<320x512xf32> to vector<320x256xf32>
    %add3A_18 = arith.addf %slice3A_16, %slice3A_17 : vector<320x256xf32>
    %slice3A_19 = vector.extract_strided_slice %add3A_18 {offsets = [0, 0], sizes = [320, 128], strides = [1, 1]} : vector<320x256xf32> to vector<320x128xf32>
    %slice3A_20 = vector.extract_strided_slice %add3A_18 {offsets = [0, 128], sizes = [320, 128], strides = [1, 1]} : vector<320x256xf32> to vector<320x128xf32>
    %add3A_21 = arith.addf %slice3A_19, %slice3A_20 : vector<320x128xf32>
    %slice3A_22 = vector.extract_strided_slice %add3A_9 {offsets = [320, 0], sizes = [320, 512], strides = [1, 1]} : vector<640x512xf32> to vector<320x512xf32>
    %reduce_max3A_23 = arith.constant dense<0xFF800000> : vector<512xf32>
    %reduce_max3A_24 = vector.multi_reduction <maximumf>, %slice3A_22, %reduce_max3A_23 [0] : vector<320x512xf32> to vector<512xf32>
    %broadcast_in_dim3A_25 = vector.shape_cast %reduce_max3A_24 : vector<512xf32> to vector<1x512xf32>
    %eq3A_26 = vector.broadcast %broadcast_in_dim3A_25 : vector<1x512xf32> to vector<320x512xf32>
    %eq3A_27 = arith.cmpf oeq, %slice3A_22, %eq3A_26 : vector<320x512xf32>
    %iota3A_28 = tpu.iota {dimensions = array<i32: 0>} : vector<320x512xi32>
    %jit3A_29 = arith.constant 320 : i32
    %broadcast_in_dim3A_30 = vector.broadcast %jit3A_29 : i32 to vector<320x512xi32>
    %select_n3A_31 = arith.select %eq3A_27, %iota3A_28, %broadcast_in_dim3A_30 : vector<320x512xi1>, vector<320x512xi32>
    %reduce_min3A_32 = arith.constant dense<2147483647> : vector<512xi32>
    %reduce_min3A_33 = vector.multi_reduction <minsi>, %select_n3A_31, %reduce_min3A_32 [0] : vector<320x512xi32> to vector<512xi32>
    %broadcast_in_dim3A_34 = vector.shape_cast %reduce_min3A_33 : vector<512xi32> to vector<1x512xi32>
    %convert_element_type3A_35 = arith.extui %eq3A_27 : vector<320x512xi1> to vector<320x512xi32>
    %convert_element_type3A_36 = arith.sitofp %convert_element_type3A_35 : vector<320x512xi32> to vector<320x512xf32>
    %slice3A_37 = vector.extract_strided_slice %convert_element_type3A_36 {offsets = [0, 0], sizes = [320, 256], strides = [1, 1]} : vector<320x512xf32> to vector<320x256xf32>
    %slice3A_38 = vector.extract_strided_slice %convert_element_type3A_36 {offsets = [0, 256], sizes = [320, 256], strides = [1, 1]} : vector<320x512xf32> to vector<320x256xf32>
    %add3A_39 = arith.addf %slice3A_37, %slice3A_38 : vector<320x256xf32>
    %slice3A_40 = vector.extract_strided_slice %add3A_39 {offsets = [0, 0], sizes = [320, 128], strides = [1, 1]} : vector<320x256xf32> to vector<320x128xf32>
    %slice3A_41 = vector.extract_strided_slice %add3A_39 {offsets = [0, 128], sizes = [320, 128], strides = [1, 1]} : vector<320x256xf32> to vector<320x128xf32>
    %add3A_42 = arith.addf %slice3A_40, %slice3A_41 : vector<320x128xf32>
    %add3A_43 = arith.constant 320 : i32
    %add3A_44 = vector.broadcast %add3A_43 : i32 to vector<1x512xi32>
    %add3A_45 = arith.addi %broadcast_in_dim3A_34, %add3A_44 : vector<1x512xi32>
    %concatenate3A = tpu.concatenate %broadcast_in_dim3A_14, %add3A_45 in 0 : vector<1x512xi32>, vector<1x512xi32> -> vector<2x512xi32>
    %get3A_46 = arith.constant 0 : index
    %get3A_47 = arith.constant 0 : index
    %get3A_48 = vector.load %arg2[%get3A_46, %get3A_47] : memref<640x512xf32, #tpu.memory_space<vmem>>, vector<640x512xf32>
    %get3A_49 = arith.constant 512 : index
    %get3A_50 = arith.constant 0 : index
    %get3A_51 = vector.load %arg1[%get3A_49, %get3A_50] : memref<2048x512xf32, #tpu.memory_space<vmem>>, vector<512x512xf32>
    %dot_general3A_52 = arith.constant dense<0.000000e+00> : vector<640x512xf32>
    %dot_general3A_53 = tpu.matmul %get3A_48, %get3A_51, %dot_general3A_52 {dimension_numbers = #tpu.dot_dimension_numbers<[1], [1], [0], [0], [0, 0, 1, 0], [], []>, transpose_lhs_hint = false} : vector<640x512xf32>, vector<512x512xf32>, vector<640x512xf32> -> vector<640x512xf32>
    %get3A_54 = arith.constant 0 : index
    %get3A_55 = arith.constant 0 : index
    %get3A_56 = vector.load %arg3[%get3A_54, %get3A_55] : memref<640x1xf32, #tpu.memory_space<vmem>>, vector<640x1xf32>
    %add3A_57 = vector.broadcast %get3A_56 : vector<640x1xf32> to vector<640x512xf32>
    %add3A_58 = arith.addf %dot_general3A_53, %add3A_57 : vector<640x512xf32>
    %slice3A_59 = vector.extract_strided_slice %add3A_58 {offsets = [0, 0], sizes = [320, 512], strides = [1, 1]} : vector<640x512xf32> to vector<320x512xf32>
    %reduce_max3A_60 = arith.constant dense<0xFF800000> : vector<512xf32>
    %reduce_max3A_61 = vector.multi_reduction <maximumf>, %slice3A_59, %reduce_max3A_60 [0] : vector<320x512xf32> to vector<512xf32>
    %broadcast_in_dim3A_62 = vector.shape_cast %reduce_max3A_61 : vector<512xf32> to vector<1x512xf32>
    %eq3A_63 = vector.broadcast %broadcast_in_dim3A_62 : vector<1x512xf32> to vector<320x512xf32>
    %eq3A_64 = arith.cmpf oeq, %slice3A_59, %eq3A_63 : vector<320x512xf32>
    %iota3A_65 = tpu.iota {dimensions = array<i32: 0>} : vector<320x512xi32>
    %jit3A_66 = arith.constant 320 : i32
    %broadcast_in_dim3A_67 = vector.broadcast %jit3A_66 : i32 to vector<320x512xi32>
    %select_n3A_68 = arith.select %eq3A_64, %iota3A_65, %broadcast_in_dim3A_67 : vector<320x512xi1>, vector<320x512xi32>
    %reduce_min3A_69 = arith.constant dense<2147483647> : vector<512xi32>
    %reduce_min3A_70 = vector.multi_reduction <minsi>, %select_n3A_68, %reduce_min3A_69 [0] : vector<320x512xi32> to vector<512xi32>
    %broadcast_in_dim3A_71 = vector.shape_cast %reduce_min3A_70 : vector<512xi32> to vector<1x512xi32>
    %convert_element_type3A_72 = arith.extui %eq3A_64 : vector<320x512xi1> to vector<320x512xi32>
    %convert_element_type3A_73 = arith.sitofp %convert_element_type3A_72 : vector<320x512xi32> to vector<320x512xf32>
    %slice3A_74 = vector.extract_strided_slice %convert_element_type3A_73 {offsets = [0, 0], sizes = [320, 256], strides = [1, 1]} : vector<320x512xf32> to vector<320x256xf32>
    %slice3A_75 = vector.extract_strided_slice %convert_element_type3A_73 {offsets = [0, 256], sizes = [320, 256], strides = [1, 1]} : vector<320x512xf32> to vector<320x256xf32>
    %add3A_76 = arith.addf %slice3A_74, %slice3A_75 : vector<320x256xf32>
    %slice3A_77 = vector.extract_strided_slice %add3A_76 {offsets = [0, 0], sizes = [320, 128], strides = [1, 1]} : vector<320x256xf32> to vector<320x128xf32>
    %slice3A_78 = vector.extract_strided_slice %add3A_76 {offsets = [0, 128], sizes = [320, 128], strides = [1, 1]} : vector<320x256xf32> to vector<320x128xf32>
    %add3A_79 = arith.addf %slice3A_77, %slice3A_78 : vector<320x128xf32>
    %slice3A_80 = vector.extract_strided_slice %add3A_58 {offsets = [320, 0], sizes = [320, 512], strides = [1, 1]} : vector<640x512xf32> to vector<320x512xf32>
    %reduce_max3A_81 = arith.constant dense<0xFF800000> : vector<512xf32>
    %reduce_max3A_82 = vector.multi_reduction <maximumf>, %slice3A_80, %reduce_max3A_81 [0] : vector<320x512xf32> to vector<512xf32>
    %broadcast_in_dim3A_83 = vector.shape_cast %reduce_max3A_82 : vector<512xf32> to vector<1x512xf32>
    %eq3A_84 = vector.broadcast %broadcast_in_dim3A_83 : vector<1x512xf32> to vector<320x512xf32>
    %eq3A_85 = arith.cmpf oeq, %slice3A_80, %eq3A_84 : vector<320x512xf32>
    %iota3A_86 = tpu.iota {dimensions = array<i32: 0>} : vector<320x512xi32>
    %jit3A_87 = arith.constant 320 : i32
    %broadcast_in_dim3A_88 = vector.broadcast %jit3A_87 : i32 to vector<320x512xi32>
    %select_n3A_89 = arith.select %eq3A_85, %iota3A_86, %broadcast_in_dim3A_88 : vector<320x512xi1>, vector<320x512xi32>
    %reduce_min3A_90 = arith.constant dense<2147483647> : vector<512xi32>
    %reduce_min3A_91 = vector.multi_reduction <minsi>, %select_n3A_89, %reduce_min3A_90 [0] : vector<320x512xi32> to vector<512xi32>
    %broadcast_in_dim3A_92 = vector.shape_cast %reduce_min3A_91 : vector<512xi32> to vector<1x512xi32>
    %convert_element_type3A_93 = arith.extui %eq3A_85 : vector<320x512xi1> to vector<320x512xi32>
    %convert_element_type3A_94 = arith.sitofp %convert_element_type3A_93 : vector<320x512xi32> to vector<320x512xf32>
    %slice3A_95 = vector.extract_strided_slice %convert_element_type3A_94 {offsets = [0, 0], sizes = [320, 256], strides = [1, 1]} : vector<320x512xf32> to vector<320x256xf32>
    %slice3A_96 = vector.extract_strided_slice %convert_element_type3A_94 {offsets = [0, 256], sizes = [320, 256], strides = [1, 1]} : vector<320x512xf32> to vector<320x256xf32>
    %add3A_97 = arith.addf %slice3A_95, %slice3A_96 : vector<320x256xf32>
    %slice3A_98 = vector.extract_strided_slice %add3A_97 {offsets = [0, 0], sizes = [320, 128], strides = [1, 1]} : vector<320x256xf32> to vector<320x128xf32>
    %slice3A_99 = vector.extract_strided_slice %add3A_97 {offsets = [0, 128], sizes = [320, 128], strides = [1, 1]} : vector<320x256xf32> to vector<320x128xf32>
    %add3A_100 = arith.addf %slice3A_98, %slice3A_99 : vector<320x128xf32>
    %add3A_101 = arith.constant 320 : i32
    %add3A_102 = vector.broadcast %add3A_101 : i32 to vector<1x512xi32>
    %add3A_103 = arith.addi %broadcast_in_dim3A_92, %add3A_102 : vector<1x512xi32>
    %concatenate3A_104 = tpu.concatenate %broadcast_in_dim3A_71, %add3A_103 in 0 : vector<1x512xi32>, vector<1x512xi32> -> vector<2x512xi32>
    %add3A_105 = arith.addf %add3A_21, %add3A_79 : vector<320x128xf32>
    %add3A_106 = arith.addf %add3A_42, %add3A_100 : vector<320x128xf32>
    %get3A_107 = arith.constant 0 : index
    %get3A_108 = arith.constant 0 : index
    %get3A_109 = vector.load %arg2[%get3A_107, %get3A_108] : memref<640x512xf32, #tpu.memory_space<vmem>>, vector<640x512xf32>
    %get3A_110 = arith.constant 1024 : index
    %get3A_111 = arith.constant 0 : index
    %get3A_112 = vector.load %arg1[%get3A_110, %get3A_111] : memref<2048x512xf32, #tpu.memory_space<vmem>>, vector<512x512xf32>
    %dot_general3A_113 = arith.constant dense<0.000000e+00> : vector<640x512xf32>
    %dot_general3A_114 = tpu.matmul %get3A_109, %get3A_112, %dot_general3A_113 {dimension_numbers = #tpu.dot_dimension_numbers<[1], [1], [0], [0], [0, 0, 1, 0], [], []>, transpose_lhs_hint = false} : vector<640x512xf32>, vector<512x512xf32>, vector<640x512xf32> -> vector<640x512xf32>
    %get3A_115 = arith.constant 0 : index
    %get3A_116 = arith.constant 0 : index
    %get3A_117 = vector.load %arg3[%get3A_115, %get3A_116] : memref<640x1xf32, #tpu.memory_space<vmem>>, vector<640x1xf32>
    %add3A_118 = vector.broadcast %get3A_117 : vector<640x1xf32> to vector<640x512xf32>
    %add3A_119 = arith.addf %dot_general3A_114, %add3A_118 : vector<640x512xf32>
    %slice3A_120 = vector.extract_strided_slice %add3A_119 {offsets = [0, 0], sizes = [320, 512], strides = [1, 1]} : vector<640x512xf32> to vector<320x512xf32>
    %reduce_max3A_121 = arith.constant dense<0xFF800000> : vector<512xf32>
    %reduce_max3A_122 = vector.multi_reduction <maximumf>, %slice3A_120, %reduce_max3A_121 [0] : vector<320x512xf32> to vector<512xf32>
    %broadcast_in_dim3A_123 = vector.shape_cast %reduce_max3A_122 : vector<512xf32> to vector<1x512xf32>
    %eq3A_124 = vector.broadcast %broadcast_in_dim3A_123 : vector<1x512xf32> to vector<320x512xf32>
    %eq3A_125 = arith.cmpf oeq, %slice3A_120, %eq3A_124 : vector<320x512xf32>
    %iota3A_126 = tpu.iota {dimensions = array<i32: 0>} : vector<320x512xi32>
    %jit3A_127 = arith.constant 320 : i32
    %broadcast_in_dim3A_128 = vector.broadcast %jit3A_127 : i32 to vector<320x512xi32>
    %select_n3A_129 = arith.select %eq3A_125, %iota3A_126, %broadcast_in_dim3A_128 : vector<320x512xi1>, vector<320x512xi32>
    %reduce_min3A_130 = arith.constant dense<2147483647> : vector<512xi32>
    %reduce_min3A_131 = vector.multi_reduction <minsi>, %select_n3A_129, %reduce_min3A_130 [0] : vector<320x512xi32> to vector<512xi32>
    %broadcast_in_dim3A_132 = vector.shape_cast %reduce_min3A_131 : vector<512xi32> to vector<1x512xi32>
    %convert_element_type3A_133 = arith.extui %eq3A_125 : vector<320x512xi1> to vector<320x512xi32>
    %convert_element_type3A_134 = arith.sitofp %convert_element_type3A_133 : vector<320x512xi32> to vector<320x512xf32>
    %slice3A_135 = vector.extract_strided_slice %convert_element_type3A_134 {offsets = [0, 0], sizes = [320, 256], strides = [1, 1]} : vector<320x512xf32> to vector<320x256xf32>
    %slice3A_136 = vector.extract_strided_slice %convert_element_type3A_134 {offsets = [0, 256], sizes = [320, 256], strides = [1, 1]} : vector<320x512xf32> to vector<320x256xf32>
    %add3A_137 = arith.addf %slice3A_135, %slice3A_136 : vector<320x256xf32>
    %slice3A_138 = vector.extract_strided_slice %add3A_137 {offsets = [0, 0], sizes = [320, 128], strides = [1, 1]} : vector<320x256xf32> to vector<320x128xf32>
    %slice3A_139 = vector.extract_strided_slice %add3A_137 {offsets = [0, 128], sizes = [320, 128], strides = [1, 1]} : vector<320x256xf32> to vector<320x128xf32>
    %add3A_140 = arith.addf %slice3A_138, %slice3A_139 : vector<320x128xf32>
    %slice3A_141 = vector.extract_strided_slice %add3A_119 {offsets = [320, 0], sizes = [320, 512], strides = [1, 1]} : vector<640x512xf32> to vector<320x512xf32>
    %reduce_max3A_142 = arith.constant dense<0xFF800000> : vector<512xf32>
    %reduce_max3A_143 = vector.multi_reduction <maximumf>, %slice3A_141, %reduce_max3A_142 [0] : vector<320x512xf32> to vector<512xf32>
    %broadcast_in_dim3A_144 = vector.shape_cast %reduce_max3A_143 : vector<512xf32> to vector<1x512xf32>
    %eq3A_145 = vector.broadcast %broadcast_in_dim3A_144 : vector<1x512xf32> to vector<320x512xf32>
    %eq3A_146 = arith.cmpf oeq, %slice3A_141, %eq3A_145 : vector<320x512xf32>
    %iota3A_147 = tpu.iota {dimensions = array<i32: 0>} : vector<320x512xi32>
    %jit3A_148 = arith.constant 320 : i32
    %broadcast_in_dim3A_149 = vector.broadcast %jit3A_148 : i32 to vector<320x512xi32>
    %select_n3A_150 = arith.select %eq3A_146, %iota3A_147, %broadcast_in_dim3A_149 : vector<320x512xi1>, vector<320x512xi32>
    %reduce_min3A_151 = arith.constant dense<2147483647> : vector<512xi32>
    %reduce_min3A_152 = vector.multi_reduction <minsi>, %select_n3A_150, %reduce_min3A_151 [0] : vector<320x512xi32> to vector<512xi32>
    %broadcast_in_dim3A_153 = vector.shape_cast %reduce_min3A_152 : vector<512xi32> to vector<1x512xi32>
    %convert_element_type3A_154 = arith.extui %eq3A_146 : vector<320x512xi1> to vector<320x512xi32>
    %convert_element_type3A_155 = arith.sitofp %convert_element_type3A_154 : vector<320x512xi32> to vector<320x512xf32>
    %slice3A_156 = vector.extract_strided_slice %convert_element_type3A_155 {offsets = [0, 0], sizes = [320, 256], strides = [1, 1]} : vector<320x512xf32> to vector<320x256xf32>
    %slice3A_157 = vector.extract_strided_slice %convert_element_type3A_155 {offsets = [0, 256], sizes = [320, 256], strides = [1, 1]} : vector<320x512xf32> to vector<320x256xf32>
    %add3A_158 = arith.addf %slice3A_156, %slice3A_157 : vector<320x256xf32>
    %slice3A_159 = vector.extract_strided_slice %add3A_158 {offsets = [0, 0], sizes = [320, 128], strides = [1, 1]} : vector<320x256xf32> to vector<320x128xf32>
    %slice3A_160 = vector.extract_strided_slice %add3A_158 {offsets = [0, 128], sizes = [320, 128], strides = [1, 1]} : vector<320x256xf32> to vector<320x128xf32>
    %add3A_161 = arith.addf %slice3A_159, %slice3A_160 : vector<320x128xf32>
    %add3A_162 = arith.constant 320 : i32
    %add3A_163 = vector.broadcast %add3A_162 : i32 to vector<1x512xi32>
    %add3A_164 = arith.addi %broadcast_in_dim3A_153, %add3A_163 : vector<1x512xi32>
    %concatenate3A_165 = tpu.concatenate %broadcast_in_dim3A_132, %add3A_164 in 0 : vector<1x512xi32>, vector<1x512xi32> -> vector<2x512xi32>
    %add3A_166 = arith.addf %add3A_105, %add3A_140 : vector<320x128xf32>
    %add3A_167 = arith.addf %add3A_106, %add3A_161 : vector<320x128xf32>
    %get3A_168 = arith.constant 0 : index
    %get3A_169 = arith.constant 0 : index
    %get3A_170 = vector.load %arg2[%get3A_168, %get3A_169] : memref<640x512xf32, #tpu.memory_space<vmem>>, vector<640x512xf32>
    %get3A_171 = arith.constant 1536 : index
    %get3A_172 = arith.constant 0 : index
    %get3A_173 = vector.load %arg1[%get3A_171, %get3A_172] : memref<2048x512xf32, #tpu.memory_space<vmem>>, vector<512x512xf32>
    %dot_general3A_174 = arith.constant dense<0.000000e+00> : vector<640x512xf32>
    %dot_general3A_175 = tpu.matmul %get3A_170, %get3A_173, %dot_general3A_174 {dimension_numbers = #tpu.dot_dimension_numbers<[1], [1], [0], [0], [0, 0, 1, 0], [], []>, transpose_lhs_hint = false} : vector<640x512xf32>, vector<512x512xf32>, vector<640x512xf32> -> vector<640x512xf32>
    %get3A_176 = arith.constant 0 : index
    %get3A_177 = arith.constant 0 : index
    %get3A_178 = vector.load %arg3[%get3A_176, %get3A_177] : memref<640x1xf32, #tpu.memory_space<vmem>>, vector<640x1xf32>
    %add3A_179 = vector.broadcast %get3A_178 : vector<640x1xf32> to vector<640x512xf32>
    %add3A_180 = arith.addf %dot_general3A_175, %add3A_179 : vector<640x512xf32>
    %slice3A_181 = vector.extract_strided_slice %add3A_180 {offsets = [0, 0], sizes = [320, 512], strides = [1, 1]} : vector<640x512xf32> to vector<320x512xf32>
    %reduce_max3A_182 = arith.constant dense<0xFF800000> : vector<512xf32>
    %reduce_max3A_183 = vector.multi_reduction <maximumf>, %slice3A_181, %reduce_max3A_182 [0] : vector<320x512xf32> to vector<512xf32>
    %broadcast_in_dim3A_184 = vector.shape_cast %reduce_max3A_183 : vector<512xf32> to vector<1x512xf32>
    %eq3A_185 = vector.broadcast %broadcast_in_dim3A_184 : vector<1x512xf32> to vector<320x512xf32>
    %eq3A_186 = arith.cmpf oeq, %slice3A_181, %eq3A_185 : vector<320x512xf32>
    %iota3A_187 = tpu.iota {dimensions = array<i32: 0>} : vector<320x512xi32>
    %jit3A_188 = arith.constant 320 : i32
    %broadcast_in_dim3A_189 = vector.broadcast %jit3A_188 : i32 to vector<320x512xi32>
    %select_n3A_190 = arith.select %eq3A_186, %iota3A_187, %broadcast_in_dim3A_189 : vector<320x512xi1>, vector<320x512xi32>
    %reduce_min3A_191 = arith.constant dense<2147483647> : vector<512xi32>
    %reduce_min3A_192 = vector.multi_reduction <minsi>, %select_n3A_190, %reduce_min3A_191 [0] : vector<320x512xi32> to vector<512xi32>
    %broadcast_in_dim3A_193 = vector.shape_cast %reduce_min3A_192 : vector<512xi32> to vector<1x512xi32>
    %convert_element_type3A_194 = arith.extui %eq3A_186 : vector<320x512xi1> to vector<320x512xi32>
    %convert_element_type3A_195 = arith.sitofp %convert_element_type3A_194 : vector<320x512xi32> to vector<320x512xf32>
    %slice3A_196 = vector.extract_strided_slice %convert_element_type3A_195 {offsets = [0, 0], sizes = [320, 256], strides = [1, 1]} : vector<320x512xf32> to vector<320x256xf32>
    %slice3A_197 = vector.extract_strided_slice %convert_element_type3A_195 {offsets = [0, 256], sizes = [320, 256], strides = [1, 1]} : vector<320x512xf32> to vector<320x256xf32>
    %add3A_198 = arith.addf %slice3A_196, %slice3A_197 : vector<320x256xf32>
    %slice3A_199 = vector.extract_strided_slice %add3A_198 {offsets = [0, 0], sizes = [320, 128], strides = [1, 1]} : vector<320x256xf32> to vector<320x128xf32>
    %slice3A_200 = vector.extract_strided_slice %add3A_198 {offsets = [0, 128], sizes = [320, 128], strides = [1, 1]} : vector<320x256xf32> to vector<320x128xf32>
    %add3A_201 = arith.addf %slice3A_199, %slice3A_200 : vector<320x128xf32>
    %slice3A_202 = vector.extract_strided_slice %add3A_180 {offsets = [320, 0], sizes = [320, 512], strides = [1, 1]} : vector<640x512xf32> to vector<320x512xf32>
    %reduce_max3A_203 = arith.constant dense<0xFF800000> : vector<512xf32>
    %reduce_max3A_204 = vector.multi_reduction <maximumf>, %slice3A_202, %reduce_max3A_203 [0] : vector<320x512xf32> to vector<512xf32>
    %broadcast_in_dim3A_205 = vector.shape_cast %reduce_max3A_204 : vector<512xf32> to vector<1x512xf32>
    %eq3A_206 = vector.broadcast %broadcast_in_dim3A_205 : vector<1x512xf32> to vector<320x512xf32>
    %eq3A_207 = arith.cmpf oeq, %slice3A_202, %eq3A_206 : vector<320x512xf32>
    %iota3A_208 = tpu.iota {dimensions = array<i32: 0>} : vector<320x512xi32>
    %jit3A_209 = arith.constant 320 : i32
    %broadcast_in_dim3A_210 = vector.broadcast %jit3A_209 : i32 to vector<320x512xi32>
    %select_n3A_211 = arith.select %eq3A_207, %iota3A_208, %broadcast_in_dim3A_210 : vector<320x512xi1>, vector<320x512xi32>
    %reduce_min3A_212 = arith.constant dense<2147483647> : vector<512xi32>
    %reduce_min3A_213 = vector.multi_reduction <minsi>, %select_n3A_211, %reduce_min3A_212 [0] : vector<320x512xi32> to vector<512xi32>
    %broadcast_in_dim3A_214 = vector.shape_cast %reduce_min3A_213 : vector<512xi32> to vector<1x512xi32>
    %convert_element_type3A_215 = arith.extui %eq3A_207 : vector<320x512xi1> to vector<320x512xi32>
    %convert_element_type3A_216 = arith.sitofp %convert_element_type3A_215 : vector<320x512xi32> to vector<320x512xf32>
    %slice3A_217 = vector.extract_strided_slice %convert_element_type3A_216 {offsets = [0, 0], sizes = [320, 256], strides = [1, 1]} : vector<320x512xf32> to vector<320x256xf32>
    %slice3A_218 = vector.extract_strided_slice %convert_element_type3A_216 {offsets = [0, 256], sizes = [320, 256], strides = [1, 1]} : vector<320x512xf32> to vector<320x256xf32>
    %add3A_219 = arith.addf %slice3A_217, %slice3A_218 : vector<320x256xf32>
    %slice3A_220 = vector.extract_strided_slice %add3A_219 {offsets = [0, 0], sizes = [320, 128], strides = [1, 1]} : vector<320x256xf32> to vector<320x128xf32>
    %slice3A_221 = vector.extract_strided_slice %add3A_219 {offsets = [0, 128], sizes = [320, 128], strides = [1, 1]} : vector<320x256xf32> to vector<320x128xf32>
    %add3A_222 = arith.addf %slice3A_220, %slice3A_221 : vector<320x128xf32>
    %add3A_223 = arith.constant 320 : i32
    %add3A_224 = vector.broadcast %add3A_223 : i32 to vector<1x512xi32>
    %add3A_225 = arith.addi %broadcast_in_dim3A_214, %add3A_224 : vector<1x512xi32>
    %concatenate3A_226 = tpu.concatenate %broadcast_in_dim3A_193, %add3A_225 in 0 : vector<1x512xi32>, vector<1x512xi32> -> vector<2x512xi32>
    %add3A_227 = arith.addf %add3A_166, %add3A_201 : vector<320x128xf32>
    %add3A_228 = arith.addf %add3A_167, %add3A_222 : vector<320x128xf32>
    %concatenate3A_229 = tpu.concatenate %concatenate3A, %concatenate3A_104, %concatenate3A_165, %concatenate3A_226 in 1 : vector<2x512xi32>, vector<2x512xi32>, vector<2x512xi32>, vector<2x512xi32> -> vector<2x2048xi32>
    %transpose3A = tpu.transpose %concatenate3A_229, [1, 0] : vector<2x2048xi32> -> vector<2048x2xi32>
    %swap3A = arith.constant 0 : index
    %swap3A_230 = arith.constant 0 : index
    %swap3A_231 = vector.load %arg4[%swap3A, %swap3A_230] : memref<2048x2xi32, #tpu.memory_space<vmem>>, vector<2048x2xi32>
    tpu.vector_store %arg4[%swap3A, %swap3A_230], %transpose3A {strides = array<i32>} : memref<2048x2xi32, #tpu.memory_space<vmem>>, vector<2048x2xi32>,
    %eq3A_232 = arith.constant 0 : i32
    %eq3A_233 = arith.cmpi eq, %arg0, %eq3A_232 : i32
    %convert_element_type3A_234 = arith.extui %eq3A_233 : i1 to i32
    %cond3A = arith.constant 0 : i32
    %cond3A_235 = arith.cmpi ne, %convert_element_type3A_234, %cond3A : i32
    scf.if %cond3A_235 {
      %swap3A_245 = arith.constant 0 : index
      %swap3A_246 = arith.constant 0 : index
      %swap3A_247 = vector.load %arg6[%swap3A_245, %swap3A_246] : memref<320x128xf32, #tpu.memory_space<vmem>>, vector<320x128xf32>
      tpu.vector_store %arg6[%swap3A_245, %swap3A_246], %add3A_227 {strides = array<i32>} : memref<320x128xf32, #tpu.memory_space<vmem>>, vector<320x128xf32>,
      %swap3A_248 = arith.constant 0 : index
      %swap3A_249 = arith.constant 0 : index
      %swap3A_250 = vector.load %arg7[%swap3A_248, %swap3A_249] : memref<320x128xf32, #tpu.memory_space<vmem>>, vector<320x128xf32>
      tpu.vector_store %arg7[%swap3A_248, %swap3A_249], %add3A_228 {strides = array<i32>} : memref<320x128xf32, #tpu.memory_space<vmem>>, vector<320x128xf32>,
    } else {
    }
    %gt3A = arith.constant 0 : i32
    %gt3A_236 = arith.cmpi sgt, %arg0, %gt3A : i32
    %convert_element_type3A_237 = arith.extui %gt3A_236 : i1 to i32
    %cond3A_238 = arith.constant 0 : i32
    %cond3A_239 = arith.cmpi ne, %convert_element_type3A_237, %cond3A_238 : i32
    scf.if %cond3A_239 {
      %get3A_245 = arith.constant 0 : index
      %get3A_246 = arith.constant 0 : index
      %get3A_247 = vector.load %arg6[%get3A_245, %get3A_246] : memref<320x128xf32, #tpu.memory_space<vmem>>, vector<320x128xf32>
      %add3A_248 = arith.addf %get3A_247, %add3A_227 : vector<320x128xf32>
      %swap3A_249 = arith.constant 0 : index
      %swap3A_250 = arith.constant 0 : index
      %swap3A_251 = vector.load %arg6[%swap3A_249, %swap3A_250] : memref<320x128xf32, #tpu.memory_space<vmem>>, vector<320x128xf32>
      tpu.vector_store %arg6[%swap3A_249, %swap3A_250], %add3A_248 {strides = array<i32>} : memref<320x128xf32, #tpu.memory_space<vmem>>, vector<320x128xf32>,
      %get3A_252 = arith.constant 0 : index
      %get3A_253 = arith.constant 0 : index
      %get3A_254 = vector.load %arg7[%get3A_252, %get3A_253] : memref<320x128xf32, #tpu.memory_space<vmem>>, vector<320x128xf32>
      %add3A_255 = arith.addf %get3A_254, %add3A_228 : vector<320x128xf32>
      %swap3A_256 = arith.constant 0 : index
      %swap3A_257 = arith.constant 0 : index
      %swap3A_258 = vector.load %arg7[%swap3A_256, %swap3A_257] : memref<320x128xf32, #tpu.memory_space<vmem>>, vector<320x128xf32>
      tpu.vector_store %arg7[%swap3A_256, %swap3A_257], %add3A_255 {strides = array<i32>} : memref<320x128xf32, #tpu.memory_space<vmem>>, vector<320x128xf32>,
    } else {
    }
    %eq3A_240 = arith.constant 7 : i32
    %eq3A_241 = arith.cmpi eq, %arg0, %eq3A_240 : i32
    %convert_element_type3A_242 = arith.extui %eq3A_241 : i1 to i32
    %cond3A_243 = arith.constant 0 : i32
    %cond3A_244 = arith.cmpi ne, %convert_element_type3A_242, %cond3A_243 : i32
    scf.if %cond3A_244 {
      %get3A_245 = arith.constant 0 : index
      %get3A_246 = arith.constant 0 : index
      %get3A_247 = vector.load %arg6[%get3A_245, %get3A_246] : memref<320x128xf32, #tpu.memory_space<vmem>>, vector<320x128xf32>
      %reduce_sum3A = arith.constant dense<0.000000e+00> : vector<320xf32>
      %reduce_sum3A_248 = vector.multi_reduction <add>, %get3A_247, %reduce_sum3A [1] : vector<320x128xf32> to vector<320xf32>
      %broadcast_in_dim3A_249 = vector.shape_cast %reduce_sum3A_248 : vector<320xf32> to vector<320x1xf32>
      %mul3A = arith.constant 6.10351563E-5 : f32
      %mul3A_250 = vector.broadcast %mul3A : f32 to vector<320x1xf32>
      %mul3A_251 = arith.mulf %broadcast_in_dim3A_249, %mul3A_250 : vector<320x1xf32>
      %get3A_252 = arith.constant 0 : index
      %get3A_253 = arith.constant 0 : index
      %get3A_254 = vector.load %arg7[%get3A_252, %get3A_253] : memref<320x128xf32, #tpu.memory_space<vmem>>, vector<320x128xf32>
      %reduce_sum3A_255 = arith.constant dense<0.000000e+00> : vector<320xf32>
      %reduce_sum3A_256 = vector.multi_reduction <add>, %get3A_254, %reduce_sum3A_255 [1] : vector<320x128xf32> to vector<320xf32>
      %broadcast_in_dim3A_257 = vector.shape_cast %reduce_sum3A_256 : vector<320xf32> to vector<320x1xf32>
      %mul3A_258 = arith.constant 6.10351563E-5 : f32
      %mul3A_259 = vector.broadcast %mul3A_258 : f32 to vector<320x1xf32>
      %mul3A_260 = arith.mulf %broadcast_in_dim3A_257, %mul3A_259 : vector<320x1xf32>
      %add3A_261 = arith.constant 1.000000e-07 : f32
      %add3A_262 = vector.broadcast %add3A_261 : f32 to vector<320x1xf32>
      %add3A_263 = arith.addf %mul3A_251, %add3A_262 : vector<320x1xf32>
      %log3A = math.log %add3A_263 : vector<320x1xf32>
      %mul3A_264 = arith.mulf %mul3A_251, %log3A : vector<320x1xf32>
      %reduce_sum3A_265 = vector.shape_cast %mul3A_264 : vector<320x1xf32> to vector<1x320x1xf32>
      %reduce_sum3A_266 = arith.constant dense<0.000000e+00> : vector<1xf32>
      %reduce_sum3A_267 = vector.multi_reduction <add>, %reduce_sum3A_265, %reduce_sum3A_266 [1, 2] : vector<1x320x1xf32> to vector<1xf32>
      %reduce_sum3A_268 = vector.shape_cast %reduce_sum3A_267 : vector<1xf32> to vector<1x1x1xf32>
      %reduce_sum3A_269 = vector.extract %reduce_sum3A_268[0, 0, 0] : f32 from vector<1x1x1xf32>
      %broadcast_in_dim3A_270 = vector.broadcast %reduce_sum3A_269 : f32 to vector<1x1xf32>
      %neg3A = arith.constant 0.000000e+00 : f32
      %neg3A_271 = vector.broadcast %neg3A : f32 to vector<1x1xf32>
      %neg3A_272 = arith.subf %neg3A_271, %broadcast_in_dim3A_270 : vector<1x1xf32>
      %add3A_273 = arith.constant 1.000000e-07 : f32
      %add3A_274 = vector.broadcast %add3A_273 : f32 to vector<320x1xf32>
      %add3A_275 = arith.addf %mul3A_260, %add3A_274 : vector<320x1xf32>
      %log3A_276 = math.log %add3A_275 : vector<320x1xf32>
      %mul3A_277 = arith.mulf %mul3A_260, %log3A_276 : vector<320x1xf32>
      %reduce_sum3A_278 = vector.shape_cast %mul3A_277 : vector<320x1xf32> to vector<1x320x1xf32>
      %reduce_sum3A_279 = arith.constant dense<0.000000e+00> : vector<1xf32>
      %reduce_sum3A_280 = vector.multi_reduction <add>, %reduce_sum3A_278, %reduce_sum3A_279 [1, 2] : vector<1x320x1xf32> to vector<1xf32>
      %reduce_sum3A_281 = vector.shape_cast %reduce_sum3A_280 : vector<1xf32> to vector<1x1x1xf32>
      %reduce_sum3A_282 = vector.extract %reduce_sum3A_281[0, 0, 0] : f32 from vector<1x1x1xf32>
      %broadcast_in_dim3A_283 = vector.broadcast %reduce_sum3A_282 : f32 to vector<1x1xf32>
      %neg3A_284 = arith.constant 0.000000e+00 : f32
      %neg3A_285 = vector.broadcast %neg3A_284 : f32 to vector<1x1xf32>
      %neg3A_286 = arith.subf %neg3A_285, %broadcast_in_dim3A_283 : vector<1x1xf32>
      %exp3A = math.exp %neg3A_272 : vector<1x1xf32>
      %exp3A_287 = math.exp %neg3A_286 : vector<1x1xf32>
      %add3A_288 = arith.addf %exp3A, %exp3A_287 : vector<1x1xf32>
      %swap3A_289 = arith.constant 0 : index
      %swap3A_290 = arith.constant 0 : index
      %swap3A_291 = vector.load %arg5[%swap3A_289, %swap3A_290] : memref<1x1xf32, #tpu.memory_space<vmem>>, vector<1x1xf32>
      tpu.vector_store %arg5[%swap3A_289, %swap3A_290], %add3A_288 {strides = array<i32>} : memref<1x1xf32, #tpu.memory_space<vmem>>, vector<1x1xf32>,
    } else {
    }
    return
  }
  func.func @transform_0(%arg0: i32) -> (i32, i32) {
    %c0_i32 = arith.constant 0 : i32
    %c0_i32_0 = arith.constant 0 : i32
    return %arg0, %c0_i32 : i32, i32
  }
  func.func @transform_1(%arg0: i32) -> (i32, i32) {
    %c0_i32 = arith.constant 0 : i32
    %c0_i32_0 = arith.constant 0 : i32
    %c0_i32_1 = arith.constant 0 : i32
    return %c0_i32, %c0_i32_0 : i32, i32
  }
  func.func @transform_2(%arg0: i32) -> (i32, i32) {
    %c0_i32 = arith.constant 0 : i32
    %c0_i32_0 = arith.constant 0 : i32
    %c0_i32_1 = arith.constant 0 : i32
    return %c0_i32, %c0_i32_0 : i32, i32
  }
  func.func @transform_3(%arg0: i32) -> (i32, i32) {
    %c0_i32 = arith.constant 0 : i32
    %c0_i32_0 = arith.constant 0 : i32
    return %arg0, %c0_i32 : i32, i32
  }
  func.func @transform_4(%arg0: i32) -> (i32, i32) {
    %c0_i32 = arith.constant 0 : i32
    %c0_i32_0 = arith.constant 0 : i32
    %c0_i32_1 = arith.constant 0 : i32
    return %c0_i32, %c0_i32_0 : i32, i32
  }
}

</mosaic_0001>

<sc_bundles>
// kernel: kernel.4.cloned.1.call-start
scs
__scs_entry_jumppad:
0x0: {  	(pc) =	sbr.rel $0x88, $3  }
0x1: {  	(tag) =	ssettag $0x0;
	lr =	simm.s32 $0x1  }
0x2: {  	[smem:$0x3F9D] =	sst lr;
	_ =	strace $0xD0000000  }
0x3: {  	_ = 	snop  }
0x4: {  	_ = 	snop  }
0x5: {  	_ = 	snop  }
0x6: {  	_ = 	snop  }
0x7: {  	_ = 	snop  }
__scs_overlays_trampoline_lowered:
0x8: {  	[smem:$0x3FAC] =	sst s0  }
0x9: {  	[smem:$0x3FAD] =	sst s1  }
0xa: {  	[smem:$0x3FAE] =	sst s2  }
0xb: {  	[smem:$0x3FAF] =	sst s3  }
0xc: {  	[smem:$0x3FB0] =	sst s4  }
0xd: {  	[smem:$0x3FB1] =	sst s5  }
0xe: {  	[smem:$0x3FB2] =	sst s6  }
0xf: {  	[smem:$0x3FB3] =	sst s7  }
0x10: {  	[smem:$0x3FB4] =	sst s8  }
0x11: {  	[smem:$0x3FB5] =	sst s9;
	s0 =	simm.s32 @!p0 $0x0  }
0x12: {  	s1 =	sld [smem:$0x3F9B];
	s0 =	simm.s32 @p0 $0x1  }
0x13: {  	[smem:$0x3FB6] =	sst s0;
	s0 =	simm.s32 @!p1 $0x0  }
0x14: {  	s2 =	sld [smem:$0x3F9A];
	s0 =	simm.s32 @p1 $0x1  }
0x15: {  	[smem:$0x3FB7] =	sst s0;
	s0 =	simm.s32 @!p2 $0x0  }
0x16: {  	s3 =	sld [smem:$0x3FDB];
	s0 =	simm.s32 @p2 $0x1  }
0x17: {  	s4 =	simm.s32 $0x1BF5;
	[smem:$0x3FB9] =	sst s0  }
0x18: {  	s0 =	sld [smem:$0x3F9C];
	_ =	swait.ge [sflag:s4], $0x0  }
0x19: {  	s7 =	sld [smem:$0x3F9D]  }
0x1a: {  	s8 =	sadd.s32 $0xFFFFE003, lr  }
0x1b: {  	s9 =	sadd.s32 $0xFFFFFEF7, lr;
	s5 =	simm.s32 $0xFFFFFFFF;
	p2 =	slt.u32 s8, $0xFFFFF086  }
0x1c: {  	p1 =	slt.u32 s9, $0xF7A;
	s5 =	simm.s32 @!p2 $0x0  }
0x1d: {  	s5 =	simm.s32 @p1 $0x1;
	p0 =	seq.s32 s7, s2  }
0x1e: {  	s7 =	smul.u32 @!p0 $0xF7A, s2;
	p2 =	seq.s32 @!p0 s5, $0x0  }
0x1f: {  	s9 =	smul.u32 $0xF7A, s1;
	s8 =	simm.s32 @!p0 $0x1BF5;
	p2 =	por !p2, p0  }
0x20: {  	[sflag:s8] =	ssyncset.s32 @!p0 $0xFFFFF086;
	s6 =	sadd.s32 @!p0 s3, s7;
	s7 =	simm.s32 @!p0 $0x108  }
0x21: {  	s3 =	sadd.s32 s3, s9;
	s6 =	sadd.s32 @!p0 $0x88, s6;
	s7 =	simm.s32 @p2 $0x1082  }
0x22: {  	[simem:s7], [sflag:s8] =	dma.local @!p0 [hbm:s6], $0xF7A  }
0x23: {  	s9 =	sor.u32 $0xD0000000, s2;
	s6 =	simm.s32 $0x108;
	_ =	swait.ge @!p0 [sflag:s8], $0x0  }
0x24: {  	s3 =	sadd.s32 $0x88, s3;
	s6 =	simm.s32 @!p1 $0x1082;
	[sflag:s4] =	ssyncset.s32 $0xFFFFF086  }
0x25: {  	[simem:s6], [sflag:s4] =	dma.local [hbm:s3], $0xF7A  }
0x26: {  	[smem:$0x3F9D] =	sst s1;
	(tag) =	ssettag s2;
	_ =	strace s9  }
0x27: {  	s1 =	sld [smem:$0x3FAD]  }
0x28: {  	s2 =	sld [smem:$0x3FAE]  }
0x29: {  	s4 =	sld [smem:$0x3FB0]  }
0x2a: {  	p0 =	seq.s32 s5, $0x0;
	s5 =	sld [smem:$0x3FB1]  }
0x2b: {  	s6 =	sld [smem:$0x3FB2]  }
0x2c: {  	s7 =	sld [smem:$0x3FB3]  }
0x2d: {  	s3 =	simm.s32 $0x108;
	s8 =	sld [smem:$0x3FB4]  }
0x2e: {  	s3 =	simm.s32 @!p0 $0x1082;
	s9 =	sld [smem:$0x3FB5]  }
0x2f: {  	lr =	sadd.s32 s0, s3;
	s0 =	sld [smem:$0x3FAC]  }
0x30: {  	s3 =	sld [smem:$0x3FAF]  }
0x31: {  	[smem:$0x3FB8] =	sst s10  }
0x32: {  	s10 =	sld [smem:$0x3FB6];
	_ =	sdelay $0x3  }
0x33: {  	p0 =	seq.s32 s10, $0x1;
	s10 =	sld [smem:$0x3FB8];
	_ =	sdelay $0x3  }
0x34: {  	[smem:$0x3FB8] =	sst s10  }
0x35: {  	s10 =	sld [smem:$0x3FB7];
	_ =	sdelay $0x3  }
0x36: {  	p1 =	seq.s32 s10, $0x1;
	s10 =	sld [smem:$0x3FB8];
	_ =	sdelay $0x3  }
0x37: {  	[smem:$0x3FB8] =	sst s10  }
0x38: {  	s10 =	sld [smem:$0x3FB9]  }
0x39: {  	_ = 	snop;
	(pc) =	sbr.ind lr, $3  }
0x3a: {  	_ = 	snop  }
0x3b: {  	_ = 	snop  }
0x3c: {  	p2 =	seq.s32 s10, $0x1;
	s10 =	sld [smem:$0x3FB8]  }
0x3d: {  	_ =	shalt  }
0x3e: {  	_ =	shalt  }
0x3f: {  	_ =	shalt  }
0x40: {  	_ =	shalt  }
0x41: {  	_ =	shalt  }
0x42: {  	_ =	shalt  }
0x43: {  	_ =	shalt  }
0x44: {  	_ =	shalt  }
0x45: {  	_ =	shalt  }
0x46: {  	_ =	shalt  }
0x47: {  	_ =	shalt  }
0x48: {  	_ =	shalt  }
0x49: {  	_ =	shalt  }
0x4a: {  	_ =	shalt  }
0x4b: {  	_ =	shalt  }
0x4c: {  	_ =	shalt  }
0x4d: {  	_ =	shalt  }
0x4e: {  	_ =	shalt  }
0x4f: {  	_ =	shalt  }
0x50: {  	_ =	shalt  }
0x51: {  	_ =	shalt  }
0x52: {  	_ =	shalt  }
0x53: {  	_ =	shalt  }
0x54: {  	_ =	shalt  }
0x55: {  	_ =	shalt  }
0x56: {  	_ =	shalt  }
0x57: {  	_ =	shalt  }
0x58: {  	_ =	shalt  }
0x59: {  	_ =	shalt  }
0x5a: {  	_ =	shalt  }
0x5b: {  	_ =	shalt  }
0x5c: {  	_ =	shalt  }
0x5d: {  	_ =	shalt  }
0x5e: {  	_ =	shalt  }
0x5f: {  	_ =	shalt  }
0x60: {  	_ =	shalt  }
0x61: {  	_ =	shalt  }
0x62: {  	_ =	shalt  }
0x63: {  	_ =	shalt  }
0x64: {  	_ =	shalt  }
0x65: {  	_ =	shalt  }
0x66: {  	_ =	shalt  }
0x67: {  	_ =	shalt  }
0x68: {  	_ =	shalt  }
0x69: {  	_ =	shalt  }
0x6a: {  	_ =	shalt  }
0x6b: {  	_ =	shalt  }
0x6c: {  	_ =	shalt  }
0x6d: {  	_ =	shalt  }
0x6e: {  	_ =	shalt  }
0x6f: {  	_ =	shalt  }
0x70: {  	_ =	shalt  }
0x71: {  	_ =	shalt  }
0x72: {  	_ =	shalt  }
0x73: {  	_ =	shalt  }
0x74: {  	_ =	shalt  }
0x75: {  	_ =	shalt  }
0x76: {  	_ =	shalt  }
0x77: {  	_ =	shalt  }
0x78: {  	_ =	shalt  }
0x79: {  	_ =	shalt  }
0x7a: {  	_ =	shalt  }
0x7b: {  	_ =	shalt  }
0x7c: {  	_ =	shalt  }
0x7d: {  	_ =	shalt  }
0x7e: {  	_ =	shalt  }
0x7f: {  	_ =	shalt  }
0x80: {  	_ =	shalt  }
0x81: {  	_ =	shalt  }
0x82: {  	_ =	shalt  }
0x83: {  	_ =	shalt  }
0x84: {  	_ =	shalt  }
0x85: {  	_ =	shalt  }
0x86: {  	_ =	shalt  }
0x87: {  	_ =	shalt  }
.Lfunc_end0:
.L_simem_size_0:
called_computation_lowered:
.L_overlay_start_0:
0x88: {  	s2 =	sld [smem:$0x3FD9]  }
0x89: {  	s3 =	sld [smem:$0x3FFE];
	_ =	sdelay $0x1  }
0x8a: {  	s1 =	srdreg.scid  }
0x8b: {  	s0 =	sand.u32 $0x1, s1  }
0x8c: {  	s14 =	sshll.u32 s0, $0xA;
	s2 =	sadd.s32 s3, s2  }
0x8d: {  	s2 =	sadd.s32 s2, s14  }
0x8e: {  	[smem:$0x3FC4] =	sst s2  }
0x8f: {  	_ = 	snop  }
0x90: {  	s2 =	sld [smem:$0x3FD0];
	_ =	sdelay $0x2  }
0x91: {  	s4 =	simm.s32 $0xA;
	s5 =	simm.s32 $0x10;
	s15 =	sld [smem:$0x3FC6]  }
0x92: {  	[smem:s5], [sflag:s4] =	dma.local [hbm:s2], $0x1  }
0x93: {  	_ =	swait.eq [sflag:s4], $0x1  }
0x94: {  	[sflag:s4] =	ssyncset.done $0x0  }
0x95: {  	[sflag:s4] =	ssyncadd.s32 $0xFFFFFFFF  }
0x96: {  	s16 =	sld [smem:$0x10];
	(tm) =	ssettm $0x1  }
0x97: {  	s17 =	sld [smem:$0x3FFB];
	_ =	sdelay $0x3  }
0x98: {  	_ =	strace s17  }
0x99: {  	s4 =	sld [smem:$0x3FFC];
	_ =	sdelay $0x3  }
0x9a: {  	_ =	strace s4  }
0x9b: {  	s4 =	sld [smem:$0x3FFD];
	_ =	sdelay $0x3  }
0x9c: {  	_ =	strace s4  }
0x9d: {  	_ =	strace $0x8FFFFFFF  }
0x9e: {  	s18 =	sld [smem:$0x3FDB];
	_ =	sdelay $0x1  }
0x9f: {  	s19 =	simm.s32 $_scs_section_size  }
0xa0: {  	s6 =	simm.s32 $_size__tile_overlayer_lowered;
	s7 =	simm.s32 $_tile_overlayer_lowered  }
0xa1: {  	s22 =	simm.s32 $0x1BFF;
	s21 =	sshll.u32 s7, $0x1;
	s4 =	sadd.s32 s19, s18  }
0xa2: {  	s8 =	simm.s32 $0x0;
	s20 =	sshll.u32 s6, $0x1;
	s6 =	sadd.s32 s21, s4  }
0xa3: {  	[timem:s8], [sflag:s22] =	dma.local [hbm:s6], s20  }
0xa4: {  	_ =	swait.ge [sflag:s22], s20  }
0xa5: {  	s5 =	ssub.s32 $0x0, s20;
	[sflag:s22] =	ssyncset.done $0x0  }
0xa6: {  	[sflag:s22] =	ssyncadd.s32 s5;
	_ =	sdelay $0x1  }
0xa7: {  	s23 =	simm.s32 $0x1B8B  }
0xa8: {  	_ =	swait.ge [sflag:s23], $0x1  }
0xa9: {  	[sflag:s23] =	ssyncset.done $0x0  }
0xaa: {  	s25 =	simm.s32 $0x1B8E;
	s24 =	sld [smem:$0x3FFE];
	[sflag:s23] =	ssyncadd.s32 $0xFFFFFFFF  }
0xab: {  	s26 =	simm.s32 $execute0_lowered;
	[smem:$0x3FD2] =	sst s25  }
0xac: {  	s6 =	sshll.u32 s26, $0x1;
	_ =	strace $0x80000046;
	[dreg:$0x1] =	wrdreg $0xFFFFFFFF  }
0xad: {  	s28 =	simm.s32 $_size_execute0_lowered;
	s4 =	sadd.s32 s4, s6;
	[dreg:$0x0] =	wrdreg $0x0  }
0xae: {  	s6 =	sshll.u32 s28, $0x1;
	[dreg:$0x2] =	wrdreg s4  }
0xaf: {  	[dreg:$0x3] =	wrdreg s6  }
0xb0: {  	[dreg:$0x4] =	wrdreg $0xC0  }
0xb1: {  	_ =	task [dreg:s8], $0x5FFFF  }
0xb2: {  	[dreg:$0x1] =	wrdreg $0xFFFFFFFF  }
0xb3: {  	[dreg:$0x0] =	wrdreg $0x60  }
0xb4: {  	[dreg:$0x2] =	wrdreg s15  }
0xb5: {  	[dreg:$0x3] =	wrdreg s16  }
0xb6: {  	[dreg:$0x4] =	wrdreg s24  }
0xb7: {  	[dreg:$0x5] =	wrdreg $0x140000  }
0xb8: {  	[dreg:$0x6] =	wrdreg $0x9  }
0xb9: {  	_ =	task.clear_ibuf [dreg:s8], $0x7FFFF;
	_ =	strace $0x90000046  }
0xba: {  	s29 =	simm.s32 $0x9;
	_ =	strace $0x80000048  }
0xbb: {  	_ =	swait.ge [sflag:s29], $0x1  }
0xbc: {  	[sflag:s29] =	ssyncadd.s32 $0xFFFFFFFF  }
0xbd: {  	_ =	strace $0x90000048  }
0xbe: {  	_ =	sfence  }
0xbf: {  	s30 =	sld [smem:$0x0];
	_ =	sdelay $0x2  }
0xc0: {  	s31 =	sshll.u32 s1, $0xD;
	s1 =	sshrl.u32 s1, $0x2  }
0xc1: {  	s3 =	sand.u32 $0x4000, s31;
	s1 =	sadd.s32 s1, s30  }
0xc2: {  	s0 =	sor.u32 s3, s0;
	s1 =	sshll.u32 s1, $0x11  }
0xc3: {  	s0 =	sor.u32 s1, s0  }
0xc4: {  	s0 =	sadd.s32 $0x8F2B, s0  }
0xc5: {  	[sflag:s0] =	ssyncadd.remote.s32 $0x1  }
0xc6: {  	_ =	sfence.sel $0xFFFF  }
0xc7: {  	[dreg:$0x0] =	wrdreg $0xFFFFFFFF;
	(pc) =	sbr.abs _section_cstart, $3  }
0xc8: {  	[dreg:$0x1] =	wrdreg $0xFFFFFFFF  }
0xc9: {  	_ =	task.clear_ibuf [dreg:s8], $0x2FFFF;
	_ =	strace $0x9FFFFFFF  }
0xca: {  	(tm) =	ssettm $0x7FFFFFFF  }
0xcb: {  	_ =	shalt  }
tec
execute0_lowered:
.L_overlay_start_1:
0x0: {  	(tag) =	ssettag $0x1  }
0x1: {  	s0 =	rddreg [dreg:$0x0]  }
0x2: {  	s5 =	rddreg [dreg:$0x1]  }
0x3: {  	s11 =	rddreg [dreg:$0x2]  }
0x4: {  	s2 =	simm.s32 $0x0;
	[dreg:$0x5] =	wrdreg s0  }
0x5: {  	s6 =	stileid.u32;
	[smem:$0x7FF] =	sst s2  }
0x6: {  	s1 =	rddreg [dreg:$0x3];
	p0 =	sne.s32 s6, $0x0;
	_ =	strace $0x80000047  }
0x7: {  	s3 =	simm.s32 @!p0 $0x0;
	s4 =	simm.s32 @!p0 $0x5;
	s7 =	rddreg [dreg:$0x5]  }
0x8: {  	[tilespmem:s3], [sflag:$0x5] =	stream.linear.gather @!p0 [hbm4b:s7+s3], $0x14000, $0x38;
	[tilespmem:$0x1D800] =	vst v63  }
0x9: {  	s8 =	srdreg.scid;
	_ =	swait.ge @!p0 [sflag:s4], $0x14000  }
0xa: {  	s30 =	sand.u32 $0x1, s8;
	[sflag:s4] =	ssyncset.done @!p0 $0x0  }
0xb: {  	s6 =	sshll.u32 s6, $0xB;
	s26 =	sshll.u32 s30, $0xA;
	[sflag:s4] =	ssyncadd.s32 @!p0 $0xFFFEC000  }
0xc: {  	[spmem:s1] =	stream.linear.scatter @!p0 [tilespmem:s3], [sflag:$0x5], $0x14000, $0x38;
	[tilespmem:$0x1D800] =	vst v63  }
0xd: {  	s12 =	sor.u32 s26, s6;
	_ =	swait.ge @!p0 [sflag:s4], $0x14000  }
0xe: {  	s6 =	sshrl.u32 s12, $0x3;
	s7 =	simm.s32 $0x5;
	[sflag:s4] =	ssyncset.done @!p0 $0x0  }
0xf: {  	s5 =	sadd.s32 s5, s6;
	s6 =	simm.s32 $0x15400;
	[sflag:s4] =	ssyncadd.s32 @!p0 $0xFFFEC000  }
0x10: {  	[tilespmem:s6], [sflag:$0x5] =	stream.linear.gather [hbm4b:s5+s2], $0x400, $0x38;
	[tilespmem:$0x1D800] =	vst v63  }
0x11: {  	_ =	swait.ge [sflag:s7], $0x400  }
0x12: {  	[sflag:s7] =	ssyncset.done $0x0  }
0x13: {  	s9 =	simm.s32 $0x15800;
	[sflag:s7] =	ssyncadd.s32 $0xFFFFFC00  }
0x14: {  	s10 =	simm.s32 $0x1;
	s8 =	simm.s32 $0x80;
	[bflag:$0x0] =	sbarrier.arrive $0xFFFF  }
0x15: {  	[tilespmem:s9], [sflag:$0x1] =	stream.indirect.gather [spmem:s1], $0x80, s6, s8, $0xb8;
	[tilespmem:$0x1D800] =	vst v63  }
0x16: {  	s12 =	sshll.u32 s12, $0x4;
	_ =	swait.ge [sflag:s10], $0x4000  }
0x17: {  	s31 =	sadd.s32 s12, s11;
	[sflag:s10] =	ssyncset.done $0x0  }
0x18: {  	s11 =	simm.s32 $0x15480;
	s12 =	simm.s32 $0x19800;
	[sflag:s10] =	ssyncadd.s32 $0xFFFFC000  }
0x19: {  	[tilespmem:s12], [sflag:$0x2] =	stream.indirect.gather [spmem:s1], $0x80, s11, s8, $0xb8;
	[tilespmem:$0x1D800] =	vst v63  }
0x1a: {  	s14 =	simm.s32 $0x2;
	s13 =	sadd.s32 $0x800, s31  }
0x1b: {  	[hbm4b:s13+s2] =	stream.linear.scatter [tilespmem:s9], [sflag:$0x3], $0x4000, $0x38;
	[tilespmem:$0x1D800] =	vst v63  }
0x1c: {  	_ =	swait.ge [sflag:s14], $0x4000  }
0x1d: {  	[sflag:s14] =	ssyncset.done $0x0  }
0x1e: {  	s15 =	simm.s32 $0x3;
	[sflag:s14] =	ssyncadd.s32 $0xFFFFC000  }
0x1f: {  	_ =	swait.ge [sflag:s15], $0x4000  }
0x20: {  	[sflag:s15] =	ssyncset.done $0x0  }
0x21: {  	s16 =	simm.s32 $0x15500;
	[sflag:s15] =	ssyncadd.s32 $0xFFFFC000  }
0x22: {  	[tilespmem:s9], [sflag:$0x1] =	stream.indirect.gather [spmem:s1], $0x80, s16, s8, $0xb8;
	[tilespmem:$0x1D800] =	vst v63  }
0x23: {  	s17 =	sadd.s32 $0x1000, s31  }
0x24: {  	[hbm4b:s17+s2] =	stream.linear.scatter [tilespmem:s12], [sflag:$0x4], $0x4000, $0x38;
	[tilespmem:$0x1D800] =	vst v63  }
0x25: {  	_ =	swait.ge [sflag:s10], $0x4000  }
0x26: {  	[sflag:s10] =	ssyncset.done $0x0  }
0x27: {  	s18 =	simm.s32 $0x4;
	[sflag:s10] =	ssyncadd.s32 $0xFFFFC000  }
0x28: {  	_ =	swait.ge [sflag:s18], $0x4000  }
0x29: {  	[sflag:s18] =	ssyncset.done $0x0  }
0x2a: {  	s19 =	simm.s32 $0x15580;
	[sflag:s18] =	ssyncadd.s32 $0xFFFFC000  }
0x2b: {  	[tilespmem:s12], [sflag:$0x2] =	stream.indirect.gather [spmem:s1], $0x80, s19, s8, $0xb8;
	[tilespmem:$0x1D800] =	vst v63  }
0x2c: {  	s20 =	sadd.s32 $0x1800, s31  }
0x2d: {  	[hbm4b:s20+s2] =	stream.linear.scatter [tilespmem:s9], [sflag:$0x3], $0x4000, $0x38;
	[tilespmem:$0x1D800] =	vst v63  }
0x2e: {  	_ =	swait.ge [sflag:s14], $0x4000  }
0x2f: {  	[sflag:s14] =	ssyncset.done $0x0  }
0x30: {  	[sflag:s14] =	ssyncadd.s32 $0xFFFFC000  }
0x31: {  	_ =	swait.ge [sflag:s15], $0x4000  }
0x32: {  	[sflag:s15] =	ssyncset.done $0x0  }
0x33: {  	s21 =	simm.s32 $0x15600;
	[sflag:s15] =	ssyncadd.s32 $0xFFFFC000  }
0x34: {  	[tilespmem:s9], [sflag:$0x1] =	stream.indirect.gather [spmem:s1], $0x80, s21, s8, $0xb8;
	[tilespmem:$0x1D800] =	vst v63  }
0x35: {  	s22 =	sadd.s32 $0x2000, s31  }
0x36: {  	[hbm4b:s22+s2] =	stream.linear.scatter [tilespmem:s12], [sflag:$0x4], $0x4000, $0x38;
	[tilespmem:$0x1D800] =	vst v63  }
0x37: {  	_ =	swait.ge [sflag:s10], $0x4000  }
0x38: {  	[sflag:s10] =	ssyncset.done $0x0  }
0x39: {  	[sflag:s10] =	ssyncadd.s32 $0xFFFFC000  }
0x3a: {  	_ =	swait.ge [sflag:s18], $0x4000  }
0x3b: {  	[sflag:s18] =	ssyncset.done $0x0  }
0x3c: {  	s23 =	simm.s32 $0x15680;
	[sflag:s18] =	ssyncadd.s32 $0xFFFFC000  }
0x3d: {  	[tilespmem:s12], [sflag:$0x2] =	stream.indirect.gather [spmem:s1], $0x80, s23, s8, $0xb8;
	[tilespmem:$0x1D800] =	vst v63  }
0x3e: {  	s24 =	sadd.s32 $0x2800, s31  }
0x3f: {  	[hbm4b:s24+s2] =	stream.linear.scatter [tilespmem:s9], [sflag:$0x3], $0x4000, $0x38;
	[tilespmem:$0x1D800] =	vst v63  }
0x40: {  	_ =	swait.ge [sflag:s14], $0x4000  }
0x41: {  	[sflag:s14] =	ssyncset.done $0x0  }
0x42: {  	[sflag:s14] =	ssyncadd.s32 $0xFFFFC000  }
0x43: {  	_ =	swait.ge [sflag:s15], $0x4000  }
0x44: {  	[sflag:s15] =	ssyncset.done $0x0  }
0x45: {  	s25 =	simm.s32 $0x15700;
	[sflag:s15] =	ssyncadd.s32 $0xFFFFC000  }
0x46: {  	[tilespmem:s9], [sflag:$0x1] =	stream.indirect.gather [spmem:s1], $0x80, s25, s8, $0xb8;
	[tilespmem:$0x1D800] =	vst v63  }
0x47: {  	s26 =	sadd.s32 $0x3000, s31  }
0x48: {  	[hbm4b:s26+s2] =	stream.linear.scatter [tilespmem:s12], [sflag:$0x4], $0x4000, $0x38;
	[tilespmem:$0x1D800] =	vst v63  }
0x49: {  	_ =	swait.ge [sflag:s10], $0x4000  }
0x4a: {  	[sflag:s10] =	ssyncset.done $0x0  }
0x4b: {  	[sflag:s10] =	ssyncadd.s32 $0xFFFFC000  }
0x4c: {  	_ =	swait.ge [sflag:s18], $0x4000  }
0x4d: {  	s30 =	ssub.s32 $0x2, s30;
	[sflag:s18] =	ssyncset.done $0x0  }
0x4e: {  	s28 =	simm.s32 $0x15780;
	s0 =	sshrl.u32 s30, $0x1;
	[sflag:s18] =	ssyncadd.s32 $0xFFFFC000  }
0x4f: {  	[tilespmem:s12], [sflag:$0x2] =	stream.indirect.gather [spmem:s1], $0x80, s28, s8, $0xb8;
	[tilespmem:$0x1D800] =	vst v63  }
0x50: {  	s0 =	ssub.s32 s30, s0;
	s29 =	sadd.s32 $0x3800, s31  }
0x51: {  	[hbm4b:s29+s2] =	stream.linear.scatter [tilespmem:s9], [sflag:$0x3], $0x4000, $0x38;
	[tilespmem:$0x1D800] =	vst v63  }
0x52: {  	s0 =	smax.u32 s0, $0x1;
	_ =	swait.ge [sflag:s14], $0x4000  }
0x53: {  	s30 =	sadd.s32 $0x4000, s31;
	s31 =	sadd.s32 $0xFFFFFFFF, s0;
	[sflag:s14] =	ssyncset.done $0x0  }
0x54: {  	p1 =	sne.s32 s31, $0x0;
	[sflag:s14] =	ssyncadd.s32 $0xFFFFC000  }
.Ltmp0:
0x55: {  	_ =	swait.ge [sflag:s15], $0x4000;
	(pc) =	sbr.rel @!p1 .LBB2_2-.Ltmp0, $4  }
0x56: {  	[sflag:s15] =	ssyncset.done $0x0  }
0x57: {  	[sflag:s15] =	ssyncadd.s32 $0xFFFFC000  }
0x58: {  	[hbm4b:s30+s2] =	stream.linear.scatter [tilespmem:s12], [sflag:$0x4], $0x4000, $0x38;
	[tilespmem:$0x1D800] =	vst v63  }
0x59: {  	_ =	swait.ge [sflag:s18], $0x4000  }
.LBB2_1:
0x5a: {  	[sflag:s18] =	ssyncset.done $0x0  }
0x5b: {  	s0 =	rddreg [dreg:$0x5];
	[sflag:s18] =	ssyncadd.s32 $0xFFFFC000  }
0x5c: {  	[tilespmem:s3], [sflag:$0x5] =	stream.linear.gather @!p0 [hbm4b:s0+s3], $0x14000, $0x38;
	[tilespmem:$0x1D800] =	vst v63  }
0x5d: {  	_ =	swait.ge @!p0 [sflag:s4], $0x14000  }
0x5e: {  	[sflag:s4] =	ssyncset.done @!p0 $0x0  }
0x5f: {  	[sflag:s4] =	ssyncadd.s32 @!p0 $0xFFFEC000  }
0x60: {  	[spmem:s1] =	stream.linear.scatter @!p0 [tilespmem:s3], [sflag:$0x5], $0x14000, $0x38;
	[tilespmem:$0x1D800] =	vst v63  }
0x61: {  	_ =	swait.ge @!p0 [sflag:s4], $0x14000  }
0x62: {  	[sflag:s4] =	ssyncset.done @!p0 $0x0  }
0x63: {  	[sflag:s4] =	ssyncadd.s32 @!p0 $0xFFFEC000  }
0x64: {  	[tilespmem:s6], [sflag:$0x5] =	stream.linear.gather [hbm4b:s5+s2], $0x400, $0x38;
	[tilespmem:$0x1D800] =	vst v63  }
0x65: {  	_ =	swait.ge [sflag:s7], $0x400  }
0x66: {  	[sflag:s7] =	ssyncset.done $0x0  }
0x67: {  	[sflag:s7] =	ssyncadd.s32 $0xFFFFFC00  }
0x68: {  	[bflag:$0x0] =	sbarrier.arrive $0xFFFF  }
0x69: {  	[tilespmem:s9], [sflag:$0x1] =	stream.indirect.gather [spmem:s1], $0x80, s6, s8, $0xb8;
	[tilespmem:$0x1D800] =	vst v63  }
0x6a: {  	_ =	swait.ge [sflag:s10], $0x4000  }
0x6b: {  	[sflag:s10] =	ssyncset.done $0x0  }
0x6c: {  	[sflag:s10] =	ssyncadd.s32 $0xFFFFC000  }
0x6d: {  	[tilespmem:s12], [sflag:$0x2] =	stream.indirect.gather [spmem:s1], $0x80, s11, s8, $0xb8;
	[tilespmem:$0x1D800] =	vst v63  }
0x6e: {  	_ = 	snop  }
0x6f: {  	[hbm4b:s13+s2] =	stream.linear.scatter [tilespmem:s9], [sflag:$0x3], $0x4000, $0x38;
	[tilespmem:$0x1D800] =	vst v63  }
0x70: {  	_ =	swait.ge [sflag:s14], $0x4000  }
0x71: {  	[sflag:s14] =	ssyncset.done $0x0  }
0x72: {  	[sflag:s14] =	ssyncadd.s32 $0xFFFFC000  }
0x73: {  	_ =	swait.ge [sflag:s15], $0x4000  }
0x74: {  	[sflag:s15] =	ssyncset.done $0x0  }
0x75: {  	[sflag:s15] =	ssyncadd.s32 $0xFFFFC000  }
0x76: {  	[tilespmem:s9], [sflag:$0x1] =	stream.indirect.gather [spmem:s1], $0x80, s16, s8, $0xb8;
	[tilespmem:$0x1D800] =	vst v63  }
0x77: {  	_ = 	snop  }
0x78: {  	[hbm4b:s17+s2] =	stream.linear.scatter [tilespmem:s12], [sflag:$0x4], $0x4000, $0x38;
	[tilespmem:$0x1D800] =	vst v63  }
0x79: {  	_ =	swait.ge [sflag:s10], $0x4000  }
0x7a: {  	[sflag:s10] =	ssyncset.done $0x0  }
0x7b: {  	[sflag:s10] =	ssyncadd.s32 $0xFFFFC000  }
0x7c: {  	_ =	swait.ge [sflag:s18], $0x4000  }
0x7d: {  	[sflag:s18] =	ssyncset.done $0x0  }
0x7e: {  	[sflag:s18] =	ssyncadd.s32 $0xFFFFC000  }
0x7f: {  	[tilespmem:s12], [sflag:$0x2] =	stream.indirect.gather [spmem:s1], $0x80, s19, s8, $0xb8;
	[tilespmem:$0x1D800] =	vst v63  }
0x80: {  	_ = 	snop  }
0x81: {  	[hbm4b:s20+s2] =	stream.linear.scatter [tilespmem:s9], [sflag:$0x3], $0x4000, $0x38;
	[tilespmem:$0x1D800] =	vst v63  }
0x82: {  	_ =	swait.ge [sflag:s14], $0x4000  }
0x83: {  	[sflag:s14] =	ssyncset.done $0x0  }
0x84: {  	[sflag:s14] =	ssyncadd.s32 $0xFFFFC000  }
0x85: {  	_ =	swait.ge [sflag:s15], $0x4000  }
0x86: {  	[sflag:s15] =	ssyncset.done $0x0  }
0x87: {  	[sflag:s15] =	ssyncadd.s32 $0xFFFFC000  }
0x88: {  	[tilespmem:s9], [sflag:$0x1] =	stream.indirect.gather [spmem:s1], $0x80, s21, s8, $0xb8;
	[tilespmem:$0x1D800] =	vst v63  }
0x89: {  	_ = 	snop  }
0x8a: {  	[hbm4b:s22+s2] =	stream.linear.scatter [tilespmem:s12], [sflag:$0x4], $0x4000, $0x38;
	[tilespmem:$0x1D800] =	vst v63  }
0x8b: {  	_ =	swait.ge [sflag:s10], $0x4000  }
0x8c: {  	[sflag:s10] =	ssyncset.done $0x0  }
0x8d: {  	[sflag:s10] =	ssyncadd.s32 $0xFFFFC000  }
0x8e: {  	_ =	swait.ge [sflag:s18], $0x4000  }
0x8f: {  	[sflag:s18] =	ssyncset.done $0x0  }
0x90: {  	[sflag:s18] =	ssyncadd.s32 $0xFFFFC000  }
0x91: {  	[tilespmem:s12], [sflag:$0x2] =	stream.indirect.gather [spmem:s1], $0x80, s23, s8, $0xb8;
	[tilespmem:$0x1D800] =	vst v63  }
0x92: {  	_ = 	snop  }
0x93: {  	[hbm4b:s24+s2] =	stream.linear.scatter [tilespmem:s9], [sflag:$0x3], $0x4000, $0x38;
	[tilespmem:$0x1D800] =	vst v63  }
0x94: {  	_ =	swait.ge [sflag:s14], $0x4000  }
0x95: {  	[sflag:s14] =	ssyncset.done $0x0  }
0x96: {  	[sflag:s14] =	ssyncadd.s32 $0xFFFFC000  }
0x97: {  	_ =	swait.ge [sflag:s15], $0x4000  }
0x98: {  	[sflag:s15] =	ssyncset.done $0x0  }
0x99: {  	[sflag:s15] =	ssyncadd.s32 $0xFFFFC000  }
0x9a: {  	[tilespmem:s9], [sflag:$0x1] =	stream.indirect.gather [spmem:s1], $0x80, s25, s8, $0xb8;
	[tilespmem:$0x1D800] =	vst v63  }
0x9b: {  	_ = 	snop  }
0x9c: {  	[hbm4b:s26+s2] =	stream.linear.scatter [tilespmem:s12], [sflag:$0x4], $0x4000, $0x38;
	[tilespmem:$0x1D800] =	vst v63  }
0x9d: {  	_ =	swait.ge [sflag:s10], $0x4000  }
0x9e: {  	[sflag:s10] =	ssyncset.done $0x0  }
0x9f: {  	[sflag:s10] =	ssyncadd.s32 $0xFFFFC000  }
0xa0: {  	_ =	swait.ge [sflag:s18], $0x4000  }
0xa1: {  	[sflag:s18] =	ssyncset.done $0x0  }
0xa2: {  	[sflag:s18] =	ssyncadd.s32 $0xFFFFC000  }
0xa3: {  	[tilespmem:s12], [sflag:$0x2] =	stream.indirect.gather [spmem:s1], $0x80, s28, s8, $0xb8;
	[tilespmem:$0x1D800] =	vst v63  }
0xa4: {  	_ = 	snop  }
0xa5: {  	[hbm4b:s29+s2] =	stream.linear.scatter [tilespmem:s9], [sflag:$0x3], $0x4000, $0x38;
	[tilespmem:$0x1D800] =	vst v63  }
0xa6: {  	_ =	swait.ge [sflag:s14], $0x4000  }
0xa7: {  	s31 =	sadd.s32 $0xFFFFFFFF, s31;
	[sflag:s14] =	ssyncset.done $0x0  }
0xa8: {  	p1 =	sne.s32 s31, $0x0;
	[sflag:s14] =	ssyncadd.s32 $0xFFFFC000  }
.Ltmp1:
0xa9: {  	_ =	swait.ge [sflag:s15], $0x4000;
	(pc) =	sbr.rel @p1 .LBB2_1-.Ltmp1, $4  }
0xaa: {  	[sflag:s15] =	ssyncset.done $0x0  }
0xab: {  	[sflag:s15] =	ssyncadd.s32 $0xFFFFC000  }
0xac: {  	[hbm4b:s30+s2] =	stream.linear.scatter [tilespmem:s12], [sflag:$0x4], $0x4000, $0x38;
	[tilespmem:$0x1D800] =	vst v63  }
0xad: {  	_ =	swait.ge [sflag:s18], $0x4000  }
.LBB2_2:
0xae: {  	[sflag:s18] =	ssyncset.done $0x0  }
0xaf: {  	[sflag:s18] =	ssyncadd.s32 $0xFFFFC000  }
0xb0: {  	_ =	sfence.sel $0x180000  }
0xb1: {  	[bflag:$0x0] =	sbarrier.arrive $0xFFFF  }
0xb2: {  	_ =	strace $0x90000047  }
0xb3: {  	[bflag:$0x2] =	sbarrier.arrive $0xFFFF  }
0xb4: {  	s0 =	rddreg [dreg:$0x4]  }
0xb5: {  	s0 =	sadd.s32 @!p0 $0x100000, s0  }
0xb6: {  	[sflag:s0] =	ssyncadd.tile.s32 @!p0 $0x1;
	_ =	shalt  }
.Lfunc_end2:
_tile_overlayer_lowered:
.L_overlay_start_2:
0xb7: {  	(tag) =	ssettag $0x2  }
0xb8: {  	s0 =	rddreg [dreg:$0x0];
	s2 =	stileid.u32  }
0xb9: {  	s1 =	rddreg [dreg:$0x1];
	p0 =	sne.s32 s2, $0x0  }
0xba: {  	s3 =	rddreg [dreg:$0x2];
	[bflag:$0x3] =	sbarrier.arrive $0xFFFF;
	s2 =	simm.s32 @!p0 $0x1C05  }
0xbb: {  	[timem:s3], [sflag:s2] =	dma.local @!p0 [hbm:s0], s1  }
0xbc: {  	s0 =	simm.s32 @!p0 $0x5  }
0xbd: {  	_ =	swait.ge @!p0 [sflag:s0], s1  }
0xbe: {  	s1 =	ssub.s32 @!p0 $0x0, s1;
	[sflag:s0] =	ssyncset.done @!p0 $0x0  }
0xbf: {  	[sflag:s0] =	ssyncadd.s32 @!p0 s1  }
0xc0: {  	[bflag:$0x3] =	sbarrier.arrive $0xFFFF  }
0xc1: {  	_ =	shalt  }

</sc_bundles>
